<compile_context>
chip_gen: v7x
topology: tpu7x:2x2x1
jax: 0.10.2.dev20260603
libtpu: 0.0.44.dev20260713+nightly
codegen_flags: <defaults>
</compile_context>

<pallas_src>
import functools

import jax
import jax.numpy as jnp
from jax import lax
from jax.experimental import pallas as pl
from jax.experimental.pallas import tpu as pltpu
from jax.experimental.pallas import tpu_sc as plsc

_EPS = 1e-12
_NCHUNK = 2
_T = 128


def _sc_gather(table, idx):
    n = idx.shape[0]
    d = table.shape[1]
    n_cores, n_subcores = 2, 16
    n_workers = n_cores * n_subcores
    per_w = n // n_workers
    ch = min(128, per_w)
    n_ch = per_w // ch
    mesh = plsc.VectorSubcoreMesh(core_axis_name="c", subcore_axis_name="s")

    @functools.partial(
        pl.kernel,
        mesh=mesh,
        out_type=jax.ShapeDtypeStruct((n, d), jnp.float32),
        scratch_types=[
            pltpu.VMEM((per_w,), jnp.int32),
            pltpu.VMEM((ch, d), jnp.float32),
            pltpu.VMEM((ch, d), jnp.float32),
            pltpu.SemaphoreType.DMA,
            pltpu.SemaphoreType.DMA,
            pltpu.SemaphoreType.DMA,
            pltpu.SemaphoreType.DMA,
        ],
    )
    def gather_kernel(table_hbm, idx_hbm, out_hbm, idx_v, buf0, buf1,
                      gs0, gs1, ws0, ws1):
        wid = lax.axis_index("s") * n_cores + lax.axis_index("c")
        base = wid * per_w
        pltpu.sync_copy(idx_hbm.at[pl.ds(base, per_w)], idx_v)
        bufs = (buf0, buf1)
        gsems = (gs0, gs1)
        wsems = (ws0, ws1)
        gathers = [None] * n_ch
        for c in range(min(2, n_ch)):
            gathers[c] = pltpu.async_copy(
                table_hbm.at[idx_v.at[pl.ds(c * ch, ch)]], bufs[c % 2],
                gsems[c % 2])
        writes = []
        for c in range(n_ch):
            gathers[c].wait()
            if len(writes) >= 2:
                writes[c - 2].wait()
            writes.append(pltpu.async_copy(
                bufs[c % 2], out_hbm.at[pl.ds(base + c * ch, ch)],
                wsems[c % 2]))
            if c + 2 < n_ch:
                writes[c].wait()
                gathers[c + 2] = pltpu.async_copy(
                    table_hbm.at[idx_v.at[pl.ds((c + 2) * ch, ch)]],
                    bufs[c % 2], gsems[c % 2])
        for w in writes[-2:]:
            w.wait()

    return gather_kernel(table, idx)


def _tc_body(tt_ref, at_ref, g_ref, pos_ref, te_ref, ae_ref, ga_ref, be_ref,
             o_ref):
    x = g_ref[...] + pos_ref[...][None]
    tt = tt_ref[:, 0, :][..., None]
    at = at_ref[:, 0, :][..., None]
    x = x + jnp.where(tt == 1, te_ref[1], te_ref[0])
    acc = jnp.zeros_like(x)
    for k in range(5):
        acc = acc + jnp.where(at == k, ae_ref[k], 0.0)
    x = x + acc
    mu = jnp.mean(x, axis=-1, keepdims=True)
    xc = x - mu
    var = jnp.mean(xc * xc, axis=-1, keepdims=True)
    o_ref[...] = xc * lax.rsqrt(var + _EPS) * ga_ref[0] + be_ref[0]


def _tc_body_aliased(prev_ref, *refs):
    del prev_ref
    _tc_body(*refs)


def _tc_finish_chunk(c, prev_out, gathered_c, pos_emb, tt_c, at_c, type_emb,
                     ans_emb, gamma2, beta2, b, s, d, sc):
    nsteps = sc // _T
    base = c * nsteps
    in_specs = [
        pl.BlockSpec((b, 1, _T), lambda j: (0, 0, j)),
        pl.BlockSpec((b, 1, _T), lambda j: (0, 0, j)),
        pl.BlockSpec((b, _T, d), lambda j: (0, j, 0)),
        pl.BlockSpec((_T, d), lambda j, _b=base: (_b + j, 0)),
        pl.BlockSpec(type_emb.shape, lambda j: (0, 0)),
        pl.BlockSpec(ans_emb.shape, lambda j: (0, 0)),
        pl.BlockSpec((1, d), lambda j: (0, 0)),
        pl.BlockSpec((1, d), lambda j: (0, 0)),
    ]
    out_spec = pl.BlockSpec((b, _T, d), lambda j, _b=base: (0, _b + j, 0))
    args = (tt_c, at_c, gathered_c.reshape(b, sc, d), pos_emb, type_emb,
            ans_emb, gamma2, beta2)
    if prev_out is None:
        return pl.pallas_call(
            _tc_body,
            grid=(nsteps,),
            in_specs=in_specs,
            out_specs=out_spec,
            out_shape=jax.ShapeDtypeStruct((b, s, d), jnp.float32),
        )(*args)
    return pl.pallas_call(
        _tc_body_aliased,
        grid=(nsteps,),
        in_specs=[pl.BlockSpec(memory_space=pl.ANY)] + in_specs,
        out_specs=out_spec,
        out_shape=jax.ShapeDtypeStruct((b, s, d), jnp.float32),
        input_output_aliases={0: 0},
    )(prev_out, *args)


def kernel(input_ids, token_type_ids, ans_type_ids, word_emb, pos_emb, type_emb,
           ans_emb, gamma, beta):
    b, s = input_ids.shape
    d = word_emb.shape[1]
    sc = s // _NCHUNK
    ids_c = input_ids.reshape(b, _NCHUNK, sc).transpose(1, 0, 2)
    tt_c = token_type_ids.reshape(b, _NCHUNK, 1, sc).transpose(1, 0, 2, 3)
    at_c = ans_type_ids.reshape(b, _NCHUNK, 1, sc).transpose(1, 0, 2, 3)
    gamma2 = gamma.reshape(1, d)
    beta2 = beta.reshape(1, d)
    gathered = [
        _sc_gather(word_emb, ids_c[c].reshape(b * sc).astype(jnp.int32))
        for c in range(_NCHUNK)
    ]
    out = None
    for c in range(_NCHUNK):
        out = _tc_finish_chunk(c, out, gathered[c], pos_emb,
                               tt_c[c].astype(jnp.int32),
                               at_c[c].astype(jnp.int32),
                               type_emb, ans_emb, gamma2, beta2, b, s, d, sc)
    return out

# --- scband reference (transcript-rebuilt; emitter-appended) ---
"""Pipeline reference for scband-reflect-embeddings-12515534701342 (READ-ONLY COPY).

The authoritative reference and input builder live on the scoring server;
editing this copy changes nothing except your own understanding.
"""

import jax, jax.numpy as jnp
import numpy as np

VOCAB = 100000
HID = 768
MAXPOS = 2048
TYPES = 2
ANS = 5
B = 4
S = 2048
EPS = 1e-12


def setup_inputs(seed: int = 0) -> dict:
    key = jax.random.key(seed)
    ks = jax.random.split(key, 8)
    input_ids = jax.random.randint(ks[0], (B, S), 0, VOCAB)
    token_type_ids = jax.random.randint(ks[1], (B, S), 0, TYPES)
    ans_type_ids = jax.random.randint(ks[2], (B, S), 0, ANS)
    word_emb = jax.random.normal(ks[3], (VOCAB, HID), dtype=jnp.float32) * 0.02
    word_emb = word_emb.at[0].set(0.0)  # padding_idx=0
    pos_emb = jax.random.normal(ks[4], (MAXPOS, HID), dtype=jnp.float32) * 0.02
    type_emb = jax.random.normal(ks[5], (TYPES, HID), dtype=jnp.float32) * 0.02
    ans_emb = jax.random.normal(ks[6], (ANS, HID), dtype=jnp.float32) * 0.02
    ans_emb = ans_emb.at[0].set(0.0)  # padding_idx=0
    gamma = jnp.ones((HID,), dtype=jnp.float32)
    beta = jnp.zeros((HID,), dtype=jnp.float32)
    return {
        "input_ids": input_ids,
        "token_type_ids": token_type_ids,
        "ans_type_ids": ans_type_ids,
        "word_emb": word_emb,
        "pos_emb": pos_emb,
        "type_emb": type_emb,
        "ans_emb": ans_emb,
        "gamma": gamma,
        "beta": beta,
    }


def reference(input_ids, token_type_ids, ans_type_ids, word_emb, pos_emb, type_emb, ans_emb, gamma, beta):
    seq_length = input_ids.shape[1]
    position_ids = jnp.arange(seq_length)[None, :]  # past_key_values_length=0
    inputs_embeds = jnp.take(word_emb, input_ids, axis=0)
    token_type_embeddings = jnp.take(type_emb, token_type_ids, axis=0)
    ans_type_embeddings = jnp.take(ans_emb, ans_type_ids, axis=0)
    embeddings = inputs_embeds + token_type_embeddings + ans_type_embeddings
    position_embeddings = jnp.take(pos_emb, position_ids, axis=0)
    embeddings = embeddings + position_embeddings
    mu = jnp.mean(embeddings, axis=-1, keepdims=True)
    var = jnp.mean((embeddings - mu) ** 2, axis=-1, keepdims=True)
    embeddings = (embeddings - mu) / jnp.sqrt(var + EPS) * gamma + beta
    # dropout is identity in eval mode
    return embeddings

if __name__ == "__main__":
    import jax
    _d = setup_inputs()
    print(jax.jit(kernel)(*tuple(_d.values())))

</pallas_src>

<mosaic_0001>
#map = affine_map<(d0, d1) -> (0, 0)>
#map1 = affine_map<(d0, d1) -> (0)>
module attributes {stable_mosaic.version = 14 : i64} {
  func.func @gather_kernel(%arg0: i32, %arg1: i32, %arg2: memref<100000x768xf32, #tpu.memory_space<hbm>>, %arg3: memref<4096xi32, #tpu.memory_space<hbm>>, %arg4: memref<4096x768xf32, #tpu.memory_space<hbm>>, %arg5: memref<128xi32, #tpu.memory_space<vmem>>, %arg6: memref<128x768xf32, #tpu.memory_space<vmem>>, %arg7: memref<128x768xf32, #tpu.memory_space<vmem>>, %arg8: memref<!tpu.dma_semaphore, #tpu.memory_space<semaphore_mem>>, %arg9: memref<!tpu.dma_semaphore, #tpu.memory_space<semaphore_mem>>, %arg10: memref<!tpu.dma_semaphore, #tpu.memory_space<semaphore_mem>>, %arg11: memref<!tpu.dma_semaphore, #tpu.memory_space<semaphore_mem>>) attributes {dimension_semantics = [#tpu.dimension_semantics<core_parallel>, #tpu.dimension_semantics<subcore_parallel>], iteration_bounds = array<i64: 2, 16>, scalar_prefetch = 0 : i64, scratch_operands = 7 : i64, tpu.core_type = #tpu.core_type<sc_vector_subcore>, window_params = [{transform_indices = #map}, {transform_indices = #map1}, {transform_indices = #map}]} {
    %mul3A = arith.constant 2 : i32
    %mul3A_0 = arith.muli %arg1, %mul3A : i32
    %add3A = arith.addi %mul3A_0, %arg0 : i32
    %mul3A_1 = arith.constant 128 : i32
    %mul3A_2 = arith.muli %add3A, %mul3A_1 : i32
    "tpu.region"() ({
      %run_scoped3A = tpu.sem_alloc : memref<!tpu.dma_semaphore, #tpu.memory_space<semaphore_mem>>
      %dma_start3A_21 = tpu.memref_slice %arg3[%mul3A_2] : memref<4096xi32, #tpu.memory_space<hbm>> -> memref<128xi32, #tpu.memory_space<hbm>>
      %dma_start3A_22 = tpu.memref_slice %arg3[%mul3A_2] : memref<4096xi32, #tpu.memory_space<hbm>> -> memref<128xi32, #tpu.memory_space<hbm>>
      tpu.enqueue_dma source(%dma_start3A_22 : memref<128xi32, #tpu.memory_space<hbm>>) target(%arg5 : memref<128xi32, #tpu.memory_space<vmem>>) target_semaphore(%run_scoped3A : memref<!tpu.dma_semaphore, #tpu.memory_space<semaphore_mem>>)
      %dma_wait3A_23 = tpu.memref_slice %arg3[%mul3A_2] : memref<4096xi32, #tpu.memory_space<hbm>> -> memref<128xi32, #tpu.memory_space<hbm>>
      %dma_wait3A_24 = tpu.memref_slice %arg3[%mul3A_2] : memref<4096xi32, #tpu.memory_space<hbm>> -> memref<128xi32, #tpu.memory_space<hbm>>
      tpu.wait_dma2 semaphore(%run_scoped3A : memref<!tpu.dma_semaphore, #tpu.memory_space<semaphore_mem>>) src(%dma_wait3A_24 : memref<128xi32, #tpu.memory_space<hbm>>) dst(%arg5 : memref<128xi32, #tpu.memory_space<vmem>>)
      tpu.yield
    }) : () -> ()
    %dma_start3A = arith.constant 0 : i32
    %dma_start3A_3 = tpu.memref_slice %arg5[%dma_start3A] : memref<128xi32, #tpu.memory_space<vmem>> -> memref<128xi32, #tpu.memory_space<vmem>>
    %dma_start3A_4 = arith.constant 0 : i32
    %dma_start3A_5 = arith.constant 0 : i32
    %dma_start3A_6 = tpu.memref_slice %arg2[%dma_start3A_4, %dma_start3A_5] : memref<100000x768xf32, #tpu.memory_space<hbm>> -> memref<100000x768xf32, #tpu.memory_space<hbm>>
    tpu.enqueue_indirect_dma source(%dma_start3A_6 : memref<100000x768xf32, #tpu.memory_space<hbm>>) target(%arg6 : memref<128x768xf32, #tpu.memory_space<vmem>>) offsets(%dma_start3A_3 : memref<128xi32, #tpu.memory_space<vmem>>) semaphore(%arg8 : memref<!tpu.dma_semaphore, #tpu.memory_space<semaphore_mem>>)
    %dma_wait3A = arith.constant 0 : i32
    %dma_wait3A_7 = tpu.memref_slice %arg5[%dma_wait3A] : memref<128xi32, #tpu.memory_space<vmem>> -> memref<128xi32, #tpu.memory_space<vmem>>
    %dma_wait3A_8 = arith.constant 0 : i32
    %dma_wait3A_9 = arith.constant 0 : i32
    %dma_wait3A_10 = tpu.memref_slice %arg2[%dma_wait3A_8, %dma_wait3A_9] : memref<100000x768xf32, #tpu.memory_space<hbm>> -> memref<100000x768xf32, #tpu.memory_space<hbm>>
    tpu.wait_indirect_dma semaphore(%arg8 : memref<!tpu.dma_semaphore, #tpu.memory_space<semaphore_mem>>) src(%dma_wait3A_10 : memref<100000x768xf32, #tpu.memory_space<hbm>>) dst(%arg6 : memref<128x768xf32, #tpu.memory_space<vmem>>)
    %add3A_11 = arith.constant 0 : i32
    %add3A_12 = arith.addi %mul3A_2, %add3A_11 : i32
    %dma_start3A_13 = arith.constant 0 : i32
    %dma_start3A_14 = tpu.memref_slice %arg4[%add3A_12, %dma_start3A_13] : memref<4096x768xf32, #tpu.memory_space<hbm>> -> memref<128x768xf32, #tpu.memory_space<hbm>>
    %dma_start3A_15 = arith.constant 0 : i32
    %dma_start3A_16 = tpu.memref_slice %arg4[%add3A_12, %dma_start3A_15] : memref<4096x768xf32, #tpu.memory_space<hbm>> -> memref<128x768xf32, #tpu.memory_space<hbm>>
    tpu.enqueue_dma source(%arg6 : memref<128x768xf32, #tpu.memory_space<vmem>>) target(%dma_start3A_16 : memref<128x768xf32, #tpu.memory_space<hbm>>) target_semaphore(%arg10 : memref<!tpu.dma_semaphore, #tpu.memory_space<semaphore_mem>>)
    %dma_wait3A_17 = arith.constant 0 : i32
    %dma_wait3A_18 = tpu.memref_slice %arg4[%add3A_12, %dma_wait3A_17] : memref<4096x768xf32, #tpu.memory_space<hbm>> -> memref<128x768xf32, #tpu.memory_space<hbm>>
    %dma_wait3A_19 = arith.constant 0 : i32
    %dma_wait3A_20 = tpu.memref_slice %arg4[%add3A_12, %dma_wait3A_19] : memref<4096x768xf32, #tpu.memory_space<hbm>> -> memref<128x768xf32, #tpu.memory_space<hbm>>
    tpu.wait_dma2 semaphore(%arg10 : memref<!tpu.dma_semaphore, #tpu.memory_space<semaphore_mem>>) src(%arg6 : memref<128x768xf32, #tpu.memory_space<vmem>>) dst(%dma_wait3A_20 : memref<128x768xf32, #tpu.memory_space<hbm>>)
    return
  }
}

#map = affine_map<(d0, d1) -> (0, 0)>
#map1 = affine_map<(d0, d1) -> (0)>
module attributes {stable_mosaic.version = 14 : i64} {
  func.func @gather_kernel(%arg0: i32, %arg1: i32, %arg2: memref<100000x768xf32, #tpu.memory_space<hbm>>, %arg3: memref<4096xi32, #tpu.memory_space<hbm>>, %arg4: memref<4096x768xf32, #tpu.memory_space<hbm>>, %arg5: memref<128xi32, #tpu.memory_space<vmem>>, %arg6: memref<128x768xf32, #tpu.memory_space<vmem>>, %arg7: memref<128x768xf32, #tpu.memory_space<vmem>>, %arg8: memref<!tpu.dma_semaphore, #tpu.memory_space<semaphore_mem>>, %arg9: memref<!tpu.dma_semaphore, #tpu.memory_space<semaphore_mem>>, %arg10: memref<!tpu.dma_semaphore, #tpu.memory_space<semaphore_mem>>, %arg11: memref<!tpu.dma_semaphore, #tpu.memory_space<semaphore_mem>>) attributes {dimension_semantics = [#tpu.dimension_semantics<core_parallel>, #tpu.dimension_semantics<subcore_parallel>], iteration_bounds = array<i64: 2, 16>, scalar_prefetch = 0 : i64, scratch_operands = 7 : i64, tpu.core_type = #tpu.core_type<sc_vector_subcore>, window_params = [{transform_indices = #map}, {transform_indices = #map1}, {transform_indices = #map}]} {
    %mul3A = arith.constant 2 : i32
    %mul3A_0 = arith.muli %arg1, %mul3A : i32
    %add3A = arith.addi %mul3A_0, %arg0 : i32
    %mul3A_1 = arith.constant 128 : i32
    %mul3A_2 = arith.muli %add3A, %mul3A_1 : i32
    "tpu.region"() ({
      %run_scoped3A = tpu.sem_alloc : memref<!tpu.dma_semaphore, #tpu.memory_space<semaphore_mem>>
      %dma_start3A_21 = tpu.memref_slice %arg3[%mul3A_2] : memref<4096xi32, #tpu.memory_space<hbm>> -> memref<128xi32, #tpu.memory_space<hbm>>
      %dma_start3A_22 = tpu.memref_slice %arg3[%mul3A_2] : memref<4096xi32, #tpu.memory_space<hbm>> -> memref<128xi32, #tpu.memory_space<hbm>>
      tpu.enqueue_dma source(%dma_start3A_22 : memref<128xi32, #tpu.memory_space<hbm>>) target(%arg5 : memref<128xi32, #tpu.memory_space<vmem>>) target_semaphore(%run_scoped3A : memref<!tpu.dma_semaphore, #tpu.memory_space<semaphore_mem>>)
      %dma_wait3A_23 = tpu.memref_slice %arg3[%mul3A_2] : memref<4096xi32, #tpu.memory_space<hbm>> -> memref<128xi32, #tpu.memory_space<hbm>>
      %dma_wait3A_24 = tpu.memref_slice %arg3[%mul3A_2] : memref<4096xi32, #tpu.memory_space<hbm>> -> memref<128xi32, #tpu.memory_space<hbm>>
      tpu.wait_dma2 semaphore(%run_scoped3A : memref<!tpu.dma_semaphore, #tpu.memory_space<semaphore_mem>>) src(%dma_wait3A_24 : memref<128xi32, #tpu.memory_space<hbm>>) dst(%arg5 : memref<128xi32, #tpu.memory_space<vmem>>)
      tpu.yield
    }) : () -> ()
    %dma_start3A = arith.constant 0 : i32
    %dma_start3A_3 = tpu.memref_slice %arg5[%dma_start3A] : memref<128xi32, #tpu.memory_space<vmem>> -> memref<128xi32, #tpu.memory_space<vmem>>
    %dma_start3A_4 = arith.constant 0 : i32
    %dma_start3A_5 = arith.constant 0 : i32
    %dma_start3A_6 = tpu.memref_slice %arg2[%dma_start3A_4, %dma_start3A_5] : memref<100000x768xf32, #tpu.memory_space<hbm>> -> memref<100000x768xf32, #tpu.memory_space<hbm>>
    tpu.enqueue_indirect_dma source(%dma_start3A_6 : memref<100000x768xf32, #tpu.memory_space<hbm>>) target(%arg6 : memref<128x768xf32, #tpu.memory_space<vmem>>) offsets(%dma_start3A_3 : memref<128xi32, #tpu.memory_space<vmem>>) semaphore(%arg8 : memref<!tpu.dma_semaphore, #tpu.memory_space<semaphore_mem>>)
    %dma_wait3A = arith.constant 0 : i32
    %dma_wait3A_7 = tpu.memref_slice %arg5[%dma_wait3A] : memref<128xi32, #tpu.memory_space<vmem>> -> memref<128xi32, #tpu.memory_space<vmem>>
    %dma_wait3A_8 = arith.constant 0 : i32
    %dma_wait3A_9 = arith.constant 0 : i32
    %dma_wait3A_10 = tpu.memref_slice %arg2[%dma_wait3A_8, %dma_wait3A_9] : memref<100000x768xf32, #tpu.memory_space<hbm>> -> memref<100000x768xf32, #tpu.memory_space<hbm>>
    tpu.wait_indirect_dma semaphore(%arg8 : memref<!tpu.dma_semaphore, #tpu.memory_space<semaphore_mem>>) src(%dma_wait3A_10 : memref<100000x768xf32, #tpu.memory_space<hbm>>) dst(%arg6 : memref<128x768xf32, #tpu.memory_space<vmem>>)
    %add3A_11 = arith.constant 0 : i32
    %add3A_12 = arith.addi %mul3A_2, %add3A_11 : i32
    %dma_start3A_13 = arith.constant 0 : i32
    %dma_start3A_14 = tpu.memref_slice %arg4[%add3A_12, %dma_start3A_13] : memref<4096x768xf32, #tpu.memory_space<hbm>> -> memref<128x768xf32, #tpu.memory_space<hbm>>
    %dma_start3A_15 = arith.constant 0 : i32
    %dma_start3A_16 = tpu.memref_slice %arg4[%add3A_12, %dma_start3A_15] : memref<4096x768xf32, #tpu.memory_space<hbm>> -> memref<128x768xf32, #tpu.memory_space<hbm>>
    tpu.enqueue_dma source(%arg6 : memref<128x768xf32, #tpu.memory_space<vmem>>) target(%dma_start3A_16 : memref<128x768xf32, #tpu.memory_space<hbm>>) target_semaphore(%arg10 : memref<!tpu.dma_semaphore, #tpu.memory_space<semaphore_mem>>)
    %dma_wait3A_17 = arith.constant 0 : i32
    %dma_wait3A_18 = tpu.memref_slice %arg4[%add3A_12, %dma_wait3A_17] : memref<4096x768xf32, #tpu.memory_space<hbm>> -> memref<128x768xf32, #tpu.memory_space<hbm>>
    %dma_wait3A_19 = arith.constant 0 : i32
    %dma_wait3A_20 = tpu.memref_slice %arg4[%add3A_12, %dma_wait3A_19] : memref<4096x768xf32, #tpu.memory_space<hbm>> -> memref<128x768xf32, #tpu.memory_space<hbm>>
    tpu.wait_dma2 semaphore(%arg10 : memref<!tpu.dma_semaphore, #tpu.memory_space<semaphore_mem>>) src(%arg6 : memref<128x768xf32, #tpu.memory_space<vmem>>) dst(%dma_wait3A_20 : memref<128x768xf32, #tpu.memory_space<hbm>>)
    return
  }
}

module attributes {stable_mosaic.version = 14 : i64} {
  func.func @_tc_body(%arg0: i32, %arg1: memref<4x1x128xi32, #tpu.memory_space<vmem>>, %arg2: memref<4x1x128xi32, #tpu.memory_space<vmem>>, %arg3: memref<4x128x768xf32, #tpu.memory_space<vmem>>, %arg4: memref<128x768xf32, #tpu.memory_space<vmem>>, %arg5: memref<2x768xf32, #tpu.memory_space<vmem>>, %arg6: memref<5x768xf32, #tpu.memory_space<vmem>>, %arg7: memref<1x768xf32, #tpu.memory_space<vmem>>, %arg8: memref<1x768xf32, #tpu.memory_space<vmem>>, %arg9: memref<4x128x768xf32, #tpu.memory_space<vmem>>) attributes {dimension_semantics = [#tpu.dimension_semantics<arbitrary>], iteration_bounds = array<i64: 8>, scalar_prefetch = 0 : i64, scratch_operands = 0 : i64, tpu.core_type = #tpu.core_type<tc>, window_params = [{transform_indices = @transform_0, window_bounds = array<i64: 4, 1, 128>}, {transform_indices = @transform_1, window_bounds = array<i64: 4, 1, 128>}, {transform_indices = @transform_2, window_bounds = array<i64: 4, 128, 768>}, {transform_indices = @transform_3, window_bounds = array<i64: 128, 768>}, {pipeline_mode = #tpu.pipeline_mode<synchronous>, transform_indices = @transform_4, window_bounds = array<i64: 2, 768>}, {pipeline_mode = #tpu.pipeline_mode<synchronous>, transform_indices = @transform_5, window_bounds = array<i64: 5, 768>}, {pipeline_mode = #tpu.pipeline_mode<synchronous>, transform_indices = @transform_6, window_bounds = array<i64: 1, 768>}, {pipeline_mode = #tpu.pipeline_mode<synchronous>, transform_indices = @transform_7, window_bounds = array<i64: 1, 768>}, {transform_indices = @transform_8, window_bounds = array<i64: 4, 128, 768>}]} {
    %get3A = arith.constant 0 : index
    %get3A_0 = arith.constant 0 : index
    %get3A_1 = arith.constant 0 : index
    %get3A_2 = vector.load %arg3[%get3A, %get3A_0, %get3A_1] : memref<4x128x768xf32, #tpu.memory_space<vmem>>, vector<4x128x768xf32>
    %get3A_3 = arith.constant 0 : index
    %get3A_4 = arith.constant 0 : index
    %get3A_5 = vector.load %arg4[%get3A_3, %get3A_4] : memref<128x768xf32, #tpu.memory_space<vmem>>, vector<128x768xf32>
    %broadcast_in_dim3A = vector.shape_cast %get3A_5 : vector<128x768xf32> to vector<1x128x768xf32>
    %add3A = vector.broadcast %broadcast_in_dim3A : vector<1x128x768xf32> to vector<4x128x768xf32>
    %add3A_6 = arith.addf %get3A_2, %add3A : vector<4x128x768xf32>
    %get3A_7 = arith.constant 0 : index
    %get3A_8 = arith.constant 0 : index
    %get3A_9 = arith.constant 0 : index
    %get3A_10 = vector.load %arg1[%get3A_7, %get3A_8, %get3A_9] : memref<4x1x128xi32, #tpu.memory_space<vmem>>, vector<4x1x128xi32>
    %get3A_11 = vector.shape_cast %get3A_10 : vector<4x1x128xi32> to vector<4x128xi32>
    %broadcast_in_dim3A_12 = vector.shape_cast %get3A_11 : vector<4x128xi32> to vector<4x128x1xi32>
    %get3A_13 = arith.constant 0 : index
    %get3A_14 = arith.constant 0 : index
    %get3A_15 = arith.constant 0 : index
    %get3A_16 = vector.load %arg2[%get3A_13, %get3A_14, %get3A_15] : memref<4x1x128xi32, #tpu.memory_space<vmem>>, vector<4x1x128xi32>
    %get3A_17 = vector.shape_cast %get3A_16 : vector<4x1x128xi32> to vector<4x128xi32>
    %broadcast_in_dim3A_18 = vector.shape_cast %get3A_17 : vector<4x128xi32> to vector<4x128x1xi32>
    %eq3A = arith.constant 1 : i32
    %eq3A_19 = vector.broadcast %eq3A : i32 to vector<4x128x1xi32>
    %eq3A_20 = arith.cmpi eq, %broadcast_in_dim3A_12, %eq3A_19 : vector<4x128x1xi32>
    %get3A_21 = arith.constant 1 : index
    %get3A_22 = arith.constant 0 : index
    %get3A_23 = vector.load %arg5[%get3A_21, %get3A_22] : memref<2x768xf32, #tpu.memory_space<vmem>>, vector<1x768xf32>
    %get3A_24 = vector.shape_cast %get3A_23 : vector<1x768xf32> to vector<768xf32>
    %get3A_25 = arith.constant 0 : index
    %get3A_26 = arith.constant 0 : index
    %get3A_27 = vector.load %arg5[%get3A_25, %get3A_26] : memref<2x768xf32, #tpu.memory_space<vmem>>, vector<1x768xf32>
    %get3A_28 = vector.shape_cast %get3A_27 : vector<1x768xf32> to vector<768xf32>
    %broadcast_in_dim3A_29 = vector.shape_cast %eq3A_20 : vector<4x128x1xi1> to vector<4x128x1xi1>
    %broadcast_in_dim3A_30 = vector.broadcast %broadcast_in_dim3A_29 : vector<4x128x1xi1> to vector<4x128x768xi1>
    %broadcast_in_dim3A_31 = vector.shape_cast %get3A_24 : vector<768xf32> to vector<1x1x768xf32>
    %broadcast_in_dim3A_32 = vector.broadcast %broadcast_in_dim3A_31 : vector<1x1x768xf32> to vector<4x128x768xf32>
    %broadcast_in_dim3A_33 = vector.shape_cast %get3A_28 : vector<768xf32> to vector<1x1x768xf32>
    %broadcast_in_dim3A_34 = vector.broadcast %broadcast_in_dim3A_33 : vector<1x1x768xf32> to vector<4x128x768xf32>
    %select_n3A = arith.select %broadcast_in_dim3A_30, %broadcast_in_dim3A_32, %broadcast_in_dim3A_34 : vector<4x128x768xi1>, vector<4x128x768xf32>
    %add3A_35 = arith.addf %add3A_6, %select_n3A : vector<4x128x768xf32>
    %broadcast_in_dim3A_36 = arith.constant 0.000000e+00 : f32
    %broadcast_in_dim3A_37 = vector.broadcast %broadcast_in_dim3A_36 : f32 to vector<4x128x768xf32>
    %eq3A_38 = arith.constant 0 : i32
    %eq3A_39 = vector.broadcast %eq3A_38 : i32 to vector<4x128x1xi32>
    %eq3A_40 = arith.cmpi eq, %broadcast_in_dim3A_18, %eq3A_39 : vector<4x128x1xi32>
    %get3A_41 = arith.constant 0 : index
    %get3A_42 = arith.constant 0 : index
    %get3A_43 = vector.load %arg6[%get3A_41, %get3A_42] : memref<5x768xf32, #tpu.memory_space<vmem>>, vector<1x768xf32>
    %get3A_44 = vector.shape_cast %get3A_43 : vector<1x768xf32> to vector<768xf32>
    %jit3A = arith.constant 0.000000e+00 : f32
    %broadcast_in_dim3A_45 = vector.shape_cast %eq3A_40 : vector<4x128x1xi1> to vector<4x128x1xi1>
    %broadcast_in_dim3A_46 = vector.broadcast %broadcast_in_dim3A_45 : vector<4x128x1xi1> to vector<4x128x768xi1>
    %broadcast_in_dim3A_47 = vector.shape_cast %get3A_44 : vector<768xf32> to vector<1x1x768xf32>
    %broadcast_in_dim3A_48 = vector.broadcast %broadcast_in_dim3A_47 : vector<1x1x768xf32> to vector<4x128x768xf32>
    %broadcast_in_dim3A_49 = vector.broadcast %jit3A : f32 to vector<4x128x768xf32>
    %select_n3A_50 = arith.select %broadcast_in_dim3A_46, %broadcast_in_dim3A_48, %broadcast_in_dim3A_49 : vector<4x128x768xi1>, vector<4x128x768xf32>
    %add3A_51 = arith.addf %broadcast_in_dim3A_37, %select_n3A_50 : vector<4x128x768xf32>
    %eq3A_52 = arith.constant 1 : i32
    %eq3A_53 = vector.broadcast %eq3A_52 : i32 to vector<4x128x1xi32>
    %eq3A_54 = arith.cmpi eq, %broadcast_in_dim3A_18, %eq3A_53 : vector<4x128x1xi32>
    %get3A_55 = arith.constant 1 : index
    %get3A_56 = arith.constant 0 : index
    %get3A_57 = vector.load %arg6[%get3A_55, %get3A_56] : memref<5x768xf32, #tpu.memory_space<vmem>>, vector<1x768xf32>
    %get3A_58 = vector.shape_cast %get3A_57 : vector<1x768xf32> to vector<768xf32>
    %jit3A_59 = arith.constant 0.000000e+00 : f32
    %broadcast_in_dim3A_60 = vector.shape_cast %eq3A_54 : vector<4x128x1xi1> to vector<4x128x1xi1>
    %broadcast_in_dim3A_61 = vector.broadcast %broadcast_in_dim3A_60 : vector<4x128x1xi1> to vector<4x128x768xi1>
    %broadcast_in_dim3A_62 = vector.shape_cast %get3A_58 : vector<768xf32> to vector<1x1x768xf32>
    %broadcast_in_dim3A_63 = vector.broadcast %broadcast_in_dim3A_62 : vector<1x1x768xf32> to vector<4x128x768xf32>
    %broadcast_in_dim3A_64 = vector.broadcast %jit3A_59 : f32 to vector<4x128x768xf32>
    %select_n3A_65 = arith.select %broadcast_in_dim3A_61, %broadcast_in_dim3A_63, %broadcast_in_dim3A_64 : vector<4x128x768xi1>, vector<4x128x768xf32>
    %add3A_66 = arith.addf %add3A_51, %select_n3A_65 : vector<4x128x768xf32>
    %eq3A_67 = arith.constant 2 : i32
    %eq3A_68 = vector.broadcast %eq3A_67 : i32 to vector<4x128x1xi32>
    %eq3A_69 = arith.cmpi eq, %broadcast_in_dim3A_18, %eq3A_68 : vector<4x128x1xi32>
    %get3A_70 = arith.constant 2 : index
    %get3A_71 = arith.constant 0 : index
    %get3A_72 = vector.load %arg6[%get3A_70, %get3A_71] : memref<5x768xf32, #tpu.memory_space<vmem>>, vector<1x768xf32>
    %get3A_73 = vector.shape_cast %get3A_72 : vector<1x768xf32> to vector<768xf32>
    %jit3A_74 = arith.constant 0.000000e+00 : f32
    %broadcast_in_dim3A_75 = vector.shape_cast %eq3A_69 : vector<4x128x1xi1> to vector<4x128x1xi1>
    %broadcast_in_dim3A_76 = vector.broadcast %broadcast_in_dim3A_75 : vector<4x128x1xi1> to vector<4x128x768xi1>
    %broadcast_in_dim3A_77 = vector.shape_cast %get3A_73 : vector<768xf32> to vector<1x1x768xf32>
    %broadcast_in_dim3A_78 = vector.broadcast %broadcast_in_dim3A_77 : vector<1x1x768xf32> to vector<4x128x768xf32>
    %broadcast_in_dim3A_79 = vector.broadcast %jit3A_74 : f32 to vector<4x128x768xf32>
    %select_n3A_80 = arith.select %broadcast_in_dim3A_76, %broadcast_in_dim3A_78, %broadcast_in_dim3A_79 : vector<4x128x768xi1>, vector<4x128x768xf32>
    %add3A_81 = arith.addf %add3A_66, %select_n3A_80 : vector<4x128x768xf32>
    %eq3A_82 = arith.constant 3 : i32
    %eq3A_83 = vector.broadcast %eq3A_82 : i32 to vector<4x128x1xi32>
    %eq3A_84 = arith.cmpi eq, %broadcast_in_dim3A_18, %eq3A_83 : vector<4x128x1xi32>
    %get3A_85 = arith.constant 3 : index
    %get3A_86 = arith.constant 0 : index
    %get3A_87 = vector.load %arg6[%get3A_85, %get3A_86] : memref<5x768xf32, #tpu.memory_space<vmem>>, vector<1x768xf32>
    %get3A_88 = vector.shape_cast %get3A_87 : vector<1x768xf32> to vector<768xf32>
    %jit3A_89 = arith.constant 0.000000e+00 : f32
    %broadcast_in_dim3A_90 = vector.shape_cast %eq3A_84 : vector<4x128x1xi1> to vector<4x128x1xi1>
    %broadcast_in_dim3A_91 = vector.broadcast %broadcast_in_dim3A_90 : vector<4x128x1xi1> to vector<4x128x768xi1>
    %broadcast_in_dim3A_92 = vector.shape_cast %get3A_88 : vector<768xf32> to vector<1x1x768xf32>
    %broadcast_in_dim3A_93 = vector.broadcast %broadcast_in_dim3A_92 : vector<1x1x768xf32> to vector<4x128x768xf32>
    %broadcast_in_dim3A_94 = vector.broadcast %jit3A_89 : f32 to vector<4x128x768xf32>
    %select_n3A_95 = arith.select %broadcast_in_dim3A_91, %broadcast_in_dim3A_93, %broadcast_in_dim3A_94 : vector<4x128x768xi1>, vector<4x128x768xf32>
    %add3A_96 = arith.addf %add3A_81, %select_n3A_95 : vector<4x128x768xf32>
    %eq3A_97 = arith.constant 4 : i32
    %eq3A_98 = vector.broadcast %eq3A_97 : i32 to vector<4x128x1xi32>
    %eq3A_99 = arith.cmpi eq, %broadcast_in_dim3A_18, %eq3A_98 : vector<4x128x1xi32>
    %get3A_100 = arith.constant 4 : index
    %get3A_101 = arith.constant 0 : index
    %get3A_102 = vector.load %arg6[%get3A_100, %get3A_101] : memref<5x768xf32, #tpu.memory_space<vmem>>, vector<1x768xf32>
    %get3A_103 = vector.shape_cast %get3A_102 : vector<1x768xf32> to vector<768xf32>
    %jit3A_104 = arith.constant 0.000000e+00 : f32
    %broadcast_in_dim3A_105 = vector.shape_cast %eq3A_99 : vector<4x128x1xi1> to vector<4x128x1xi1>
    %broadcast_in_dim3A_106 = vector.broadcast %broadcast_in_dim3A_105 : vector<4x128x1xi1> to vector<4x128x768xi1>
    %broadcast_in_dim3A_107 = vector.shape_cast %get3A_103 : vector<768xf32> to vector<1x1x768xf32>
    %broadcast_in_dim3A_108 = vector.broadcast %broadcast_in_dim3A_107 : vector<1x1x768xf32> to vector<4x128x768xf32>
    %broadcast_in_dim3A_109 = vector.broadcast %jit3A_104 : f32 to vector<4x128x768xf32>
    %select_n3A_110 = arith.select %broadcast_in_dim3A_106, %broadcast_in_dim3A_108, %broadcast_in_dim3A_109 : vector<4x128x768xi1>, vector<4x128x768xf32>
    %add3A_111 = arith.addf %add3A_96, %select_n3A_110 : vector<4x128x768xf32>
    %add3A_112 = arith.addf %add3A_35, %add3A_111 : vector<4x128x768xf32>
    %reduce_sum3A = arith.constant dense<0.000000e+00> : vector<4x128xf32>
    %reduce_sum3A_113 = vector.multi_reduction <add>, %add3A_112, %reduce_sum3A [2] : vector<4x128x768xf32> to vector<4x128xf32>
    %broadcast_in_dim3A_114 = vector.shape_cast %reduce_sum3A_113 : vector<4x128xf32> to vector<4x128x1xf32>
    %div3A = arith.constant 7.680000e+02 : f32
    %div3A_115 = vector.broadcast %div3A : f32 to vector<4x128x1xf32>
    %div3A_116 = arith.divf %broadcast_in_dim3A_114, %div3A_115 : vector<4x128x1xf32>
    %sub3A = vector.broadcast %div3A_116 : vector<4x128x1xf32> to vector<4x128x768xf32>
    %sub3A_117 = arith.subf %add3A_112, %sub3A : vector<4x128x768xf32>
    %mul3A = arith.mulf %sub3A_117, %sub3A_117 : vector<4x128x768xf32>
    %reduce_sum3A_118 = arith.constant dense<0.000000e+00> : vector<4x128xf32>
    %reduce_sum3A_119 = vector.multi_reduction <add>, %mul3A, %reduce_sum3A_118 [2] : vector<4x128x768xf32> to vector<4x128xf32>
    %broadcast_in_dim3A_120 = vector.shape_cast %reduce_sum3A_119 : vector<4x128xf32> to vector<4x128x1xf32>
    %div3A_121 = arith.constant 7.680000e+02 : f32
    %div3A_122 = vector.broadcast %div3A_121 : f32 to vector<4x128x1xf32>
    %div3A_123 = arith.divf %broadcast_in_dim3A_120, %div3A_122 : vector<4x128x1xf32>
    %add3A_124 = arith.constant 9.99999996E-13 : f32
    %add3A_125 = vector.broadcast %add3A_124 : f32 to vector<4x128x1xf32>
    %add3A_126 = arith.addf %div3A_123, %add3A_125 : vector<4x128x1xf32>
    %rsqrt3A = math.rsqrt %add3A_126 : vector<4x128x1xf32>
    %mul3A_127 = vector.broadcast %rsqrt3A : vector<4x128x1xf32> to vector<4x128x768xf32>
    %mul3A_128 = arith.mulf %sub3A_117, %mul3A_127 : vector<4x128x768xf32>
    %get3A_129 = arith.constant 0 : index
    %get3A_130 = arith.constant 0 : index
    %get3A_131 = vector.load %arg7[%get3A_129, %get3A_130] : memref<1x768xf32, #tpu.memory_space<vmem>>, vector<1x768xf32>
    %get3A_132 = vector.shape_cast %get3A_131 : vector<1x768xf32> to vector<768xf32>
    %broadcast_in_dim3A_133 = vector.shape_cast %get3A_132 : vector<768xf32> to vector<1x1x768xf32>
    %mul3A_134 = vector.broadcast %broadcast_in_dim3A_133 : vector<1x1x768xf32> to vector<4x128x768xf32>
    %mul3A_135 = arith.mulf %mul3A_128, %mul3A_134 : vector<4x128x768xf32>
    %get3A_136 = arith.constant 0 : index
    %get3A_137 = arith.constant 0 : index
    %get3A_138 = vector.load %arg8[%get3A_136, %get3A_137] : memref<1x768xf32, #tpu.memory_space<vmem>>, vector<1x768xf32>
    %get3A_139 = vector.shape_cast %get3A_138 : vector<1x768xf32> to vector<768xf32>
    %broadcast_in_dim3A_140 = vector.shape_cast %get3A_139 : vector<768xf32> to vector<1x1x768xf32>
    %add3A_141 = vector.broadcast %broadcast_in_dim3A_140 : vector<1x1x768xf32> to vector<4x128x768xf32>
    %add3A_142 = arith.addf %mul3A_135, %add3A_141 : vector<4x128x768xf32>
    %swap3A = arith.constant 0 : index
    %swap3A_143 = arith.constant 0 : index
    %swap3A_144 = arith.constant 0 : index
    %swap3A_145 = vector.load %arg9[%swap3A, %swap3A_143, %swap3A_144] : memref<4x128x768xf32, #tpu.memory_space<vmem>>, vector<4x128x768xf32>
    tpu.vector_store %arg9[%swap3A, %swap3A_143, %swap3A_144], %add3A_142 {strides = array<i32>} : memref<4x128x768xf32, #tpu.memory_space<vmem>>, vector<4x128x768xf32>,
    return
  }
  func.func @transform_0(%arg0: i32) -> (i32, i32, i32) {
    %c0_i32 = arith.constant 0 : i32
    %c0_i32_0 = arith.constant 0 : i32
    %c0_i32_1 = arith.constant 0 : i32
    return %c0_i32, %c0_i32_0, %arg0 : i32, i32, i32
  }
  func.func @transform_1(%arg0: i32) -> (i32, i32, i32) {
    %c0_i32 = arith.constant 0 : i32
    %c0_i32_0 = arith.constant 0 : i32
    %c0_i32_1 = arith.constant 0 : i32
    return %c0_i32, %c0_i32_0, %arg0 : i32, i32, i32
  }
  func.func @transform_2(%arg0: i32) -> (i32, i32, i32) {
    %c0_i32 = arith.constant 0 : i32
    %c0_i32_0 = arith.constant 0 : i32
    %c0_i32_1 = arith.constant 0 : i32
    return %c0_i32, %arg0, %c0_i32_0 : i32, i32, i32
  }
  func.func @transform_3(%arg0: i32) -> (i32, i32) {
    %add3A = arith.constant 0 : i32
    %add3A_0 = arith.addi %add3A, %arg0 : i32
    %c0_i32 = arith.constant 0 : i32
    %c0_i32_1 = arith.constant 0 : i32
    return %add3A_0, %c0_i32 : i32, i32
  }
  func.func @transform_4(%arg0: i32) -> (i32, i32) {
    %c0_i32 = arith.constant 0 : i32
    %c0_i32_0 = arith.constant 0 : i32
    %c0_i32_1 = arith.constant 0 : i32
    return %c0_i32, %c0_i32_0 : i32, i32
  }
  func.func @transform_5(%arg0: i32) -> (i32, i32) {
    %c0_i32 = arith.constant 0 : i32
    %c0_i32_0 = arith.constant 0 : i32
    %c0_i32_1 = arith.constant 0 : i32
    return %c0_i32, %c0_i32_0 : i32, i32
  }
  func.func @transform_6(%arg0: i32) -> (i32, i32) {
    %c0_i32 = arith.constant 0 : i32
    %c0_i32_0 = arith.constant 0 : i32
    %c0_i32_1 = arith.constant 0 : i32
    return %c0_i32, %c0_i32_0 : i32, i32
  }
  func.func @transform_7(%arg0: i32) -> (i32, i32) {
    %c0_i32 = arith.constant 0 : i32
    %c0_i32_0 = arith.constant 0 : i32
    %c0_i32_1 = arith.constant 0 : i32
    return %c0_i32, %c0_i32_0 : i32, i32
  }
  func.func @transform_8(%arg0: i32) -> (i32, i32, i32) {
    %add3A = arith.constant 0 : i32
    %add3A_0 = arith.addi %add3A, %arg0 : i32
    %c0_i32 = arith.constant 0 : i32
    %c0_i32_1 = arith.constant 0 : i32
    %c0_i32_2 = arith.constant 0 : i32
    return %c0_i32, %add3A_0, %c0_i32_1 : i32, i32, i32
  }
}

module attributes {stable_mosaic.version = 14 : i64} {
  func.func @_tc_body_aliased(%arg0: i32, %arg1: memref<4x2048x768xf32, #tpu.memory_space<any>>, %arg2: memref<4x1x128xi32, #tpu.memory_space<vmem>>, %arg3: memref<4x1x128xi32, #tpu.memory_space<vmem>>, %arg4: memref<4x128x768xf32, #tpu.memory_space<vmem>>, %arg5: memref<128x768xf32, #tpu.memory_space<vmem>>, %arg6: memref<2x768xf32, #tpu.memory_space<vmem>>, %arg7: memref<5x768xf32, #tpu.memory_space<vmem>>, %arg8: memref<1x768xf32, #tpu.memory_space<vmem>>, %arg9: memref<1x768xf32, #tpu.memory_space<vmem>>, %arg10: memref<4x128x768xf32, #tpu.memory_space<vmem>>) attributes {dimension_semantics = [#tpu.dimension_semantics<arbitrary>], iteration_bounds = array<i64: 8>, scalar_prefetch = 0 : i64, scratch_operands = 0 : i64, tpu.core_type = #tpu.core_type<tc>, window_params = [{}, {transform_indices = @transform_1, window_bounds = array<i64: 4, 1, 128>}, {transform_indices = @transform_2, window_bounds = array<i64: 4, 1, 128>}, {transform_indices = @transform_3, window_bounds = array<i64: 4, 128, 768>}, {transform_indices = @transform_4, window_bounds = array<i64: 128, 768>}, {pipeline_mode = #tpu.pipeline_mode<synchronous>, transform_indices = @transform_5, window_bounds = array<i64: 2, 768>}, {pipeline_mode = #tpu.pipeline_mode<synchronous>, transform_indices = @transform_6, window_bounds = array<i64: 5, 768>}, {pipeline_mode = #tpu.pipeline_mode<synchronous>, transform_indices = @transform_7, window_bounds = array<i64: 1, 768>}, {pipeline_mode = #tpu.pipeline_mode<synchronous>, transform_indices = @transform_8, window_bounds = array<i64: 1, 768>}, {transform_indices = @transform_9, window_bounds = array<i64: 4, 128, 768>}]} {
    %get3A = arith.constant 0 : index
    %get3A_0 = arith.constant 0 : index
    %get3A_1 = arith.constant 0 : index
    %get3A_2 = vector.load %arg4[%get3A, %get3A_0, %get3A_1] : memref<4x128x768xf32, #tpu.memory_space<vmem>>, vector<4x128x768xf32>
    %get3A_3 = arith.constant 0 : index
    %get3A_4 = arith.constant 0 : index
    %get3A_5 = vector.load %arg5[%get3A_3, %get3A_4] : memref<128x768xf32, #tpu.memory_space<vmem>>, vector<128x768xf32>
    %broadcast_in_dim3A = vector.shape_cast %get3A_5 : vector<128x768xf32> to vector<1x128x768xf32>
    %add3A = vector.broadcast %broadcast_in_dim3A : vector<1x128x768xf32> to vector<4x128x768xf32>
    %add3A_6 = arith.addf %get3A_2, %add3A : vector<4x128x768xf32>
    %get3A_7 = arith.constant 0 : index
    %get3A_8 = arith.constant 0 : index
    %get3A_9 = arith.constant 0 : index
    %get3A_10 = vector.load %arg2[%get3A_7, %get3A_8, %get3A_9] : memref<4x1x128xi32, #tpu.memory_space<vmem>>, vector<4x1x128xi32>
    %get3A_11 = vector.shape_cast %get3A_10 : vector<4x1x128xi32> to vector<4x128xi32>
    %broadcast_in_dim3A_12 = vector.shape_cast %get3A_11 : vector<4x128xi32> to vector<4x128x1xi32>
    %get3A_13 = arith.constant 0 : index
    %get3A_14 = arith.constant 0 : index
    %get3A_15 = arith.constant 0 : index
    %get3A_16 = vector.load %arg3[%get3A_13, %get3A_14, %get3A_15] : memref<4x1x128xi32, #tpu.memory_space<vmem>>, vector<4x1x128xi32>
    %get3A_17 = vector.shape_cast %get3A_16 : vector<4x1x128xi32> to vector<4x128xi32>
    %broadcast_in_dim3A_18 = vector.shape_cast %get3A_17 : vector<4x128xi32> to vector<4x128x1xi32>
    %eq3A = arith.constant 1 : i32
    %eq3A_19 = vector.broadcast %eq3A : i32 to vector<4x128x1xi32>
    %eq3A_20 = arith.cmpi eq, %broadcast_in_dim3A_12, %eq3A_19 : vector<4x128x1xi32>
    %get3A_21 = arith.constant 1 : index
    %get3A_22 = arith.constant 0 : index
    %get3A_23 = vector.load %arg6[%get3A_21, %get3A_22] : memref<2x768xf32, #tpu.memory_space<vmem>>, vector<1x768xf32>
    %get3A_24 = vector.shape_cast %get3A_23 : vector<1x768xf32> to vector<768xf32>
    %get3A_25 = arith.constant 0 : index
    %get3A_26 = arith.constant 0 : index
    %get3A_27 = vector.load %arg6[%get3A_25, %get3A_26] : memref<2x768xf32, #tpu.memory_space<vmem>>, vector<1x768xf32>
    %get3A_28 = vector.shape_cast %get3A_27 : vector<1x768xf32> to vector<768xf32>
    %broadcast_in_dim3A_29 = vector.shape_cast %eq3A_20 : vector<4x128x1xi1> to vector<4x128x1xi1>
    %broadcast_in_dim3A_30 = vector.broadcast %broadcast_in_dim3A_29 : vector<4x128x1xi1> to vector<4x128x768xi1>
    %broadcast_in_dim3A_31 = vector.shape_cast %get3A_24 : vector<768xf32> to vector<1x1x768xf32>
    %broadcast_in_dim3A_32 = vector.broadcast %broadcast_in_dim3A_31 : vector<1x1x768xf32> to vector<4x128x768xf32>
    %broadcast_in_dim3A_33 = vector.shape_cast %get3A_28 : vector<768xf32> to vector<1x1x768xf32>
    %broadcast_in_dim3A_34 = vector.broadcast %broadcast_in_dim3A_33 : vector<1x1x768xf32> to vector<4x128x768xf32>
    %select_n3A = arith.select %broadcast_in_dim3A_30, %broadcast_in_dim3A_32, %broadcast_in_dim3A_34 : vector<4x128x768xi1>, vector<4x128x768xf32>
    %add3A_35 = arith.addf %add3A_6, %select_n3A : vector<4x128x768xf32>
    %broadcast_in_dim3A_36 = arith.constant 0.000000e+00 : f32
    %broadcast_in_dim3A_37 = vector.broadcast %broadcast_in_dim3A_36 : f32 to vector<4x128x768xf32>
    %eq3A_38 = arith.constant 0 : i32
    %eq3A_39 = vector.broadcast %eq3A_38 : i32 to vector<4x128x1xi32>
    %eq3A_40 = arith.cmpi eq, %broadcast_in_dim3A_18, %eq3A_39 : vector<4x128x1xi32>
    %get3A_41 = arith.constant 0 : index
    %get3A_42 = arith.constant 0 : index
    %get3A_43 = vector.load %arg7[%get3A_41, %get3A_42] : memref<5x768xf32, #tpu.memory_space<vmem>>, vector<1x768xf32>
    %get3A_44 = vector.shape_cast %get3A_43 : vector<1x768xf32> to vector<768xf32>
    %jit3A = arith.constant 0.000000e+00 : f32
    %broadcast_in_dim3A_45 = vector.shape_cast %eq3A_40 : vector<4x128x1xi1> to vector<4x128x1xi1>
    %broadcast_in_dim3A_46 = vector.broadcast %broadcast_in_dim3A_45 : vector<4x128x1xi1> to vector<4x128x768xi1>
    %broadcast_in_dim3A_47 = vector.shape_cast %get3A_44 : vector<768xf32> to vector<1x1x768xf32>
    %broadcast_in_dim3A_48 = vector.broadcast %broadcast_in_dim3A_47 : vector<1x1x768xf32> to vector<4x128x768xf32>
    %broadcast_in_dim3A_49 = vector.broadcast %jit3A : f32 to vector<4x128x768xf32>
    %select_n3A_50 = arith.select %broadcast_in_dim3A_46, %broadcast_in_dim3A_48, %broadcast_in_dim3A_49 : vector<4x128x768xi1>, vector<4x128x768xf32>
    %add3A_51 = arith.addf %broadcast_in_dim3A_37, %select_n3A_50 : vector<4x128x768xf32>
    %eq3A_52 = arith.constant 1 : i32
    %eq3A_53 = vector.broadcast %eq3A_52 : i32 to vector<4x128x1xi32>
    %eq3A_54 = arith.cmpi eq, %broadcast_in_dim3A_18, %eq3A_53 : vector<4x128x1xi32>
    %get3A_55 = arith.constant 1 : index
    %get3A_56 = arith.constant 0 : index
    %get3A_57 = vector.load %arg7[%get3A_55, %get3A_56] : memref<5x768xf32, #tpu.memory_space<vmem>>, vector<1x768xf32>
    %get3A_58 = vector.shape_cast %get3A_57 : vector<1x768xf32> to vector<768xf32>
    %jit3A_59 = arith.constant 0.000000e+00 : f32
    %broadcast_in_dim3A_60 = vector.shape_cast %eq3A_54 : vector<4x128x1xi1> to vector<4x128x1xi1>
    %broadcast_in_dim3A_61 = vector.broadcast %broadcast_in_dim3A_60 : vector<4x128x1xi1> to vector<4x128x768xi1>
    %broadcast_in_dim3A_62 = vector.shape_cast %get3A_58 : vector<768xf32> to vector<1x1x768xf32>
    %broadcast_in_dim3A_63 = vector.broadcast %broadcast_in_dim3A_62 : vector<1x1x768xf32> to vector<4x128x768xf32>
    %broadcast_in_dim3A_64 = vector.broadcast %jit3A_59 : f32 to vector<4x128x768xf32>
    %select_n3A_65 = arith.select %broadcast_in_dim3A_61, %broadcast_in_dim3A_63, %broadcast_in_dim3A_64 : vector<4x128x768xi1>, vector<4x128x768xf32>
    %add3A_66 = arith.addf %add3A_51, %select_n3A_65 : vector<4x128x768xf32>
    %eq3A_67 = arith.constant 2 : i32
    %eq3A_68 = vector.broadcast %eq3A_67 : i32 to vector<4x128x1xi32>
    %eq3A_69 = arith.cmpi eq, %broadcast_in_dim3A_18, %eq3A_68 : vector<4x128x1xi32>
    %get3A_70 = arith.constant 2 : index
    %get3A_71 = arith.constant 0 : index
    %get3A_72 = vector.load %arg7[%get3A_70, %get3A_71] : memref<5x768xf32, #tpu.memory_space<vmem>>, vector<1x768xf32>
    %get3A_73 = vector.shape_cast %get3A_72 : vector<1x768xf32> to vector<768xf32>
    %jit3A_74 = arith.constant 0.000000e+00 : f32
    %broadcast_in_dim3A_75 = vector.shape_cast %eq3A_69 : vector<4x128x1xi1> to vector<4x128x1xi1>
    %broadcast_in_dim3A_76 = vector.broadcast %broadcast_in_dim3A_75 : vector<4x128x1xi1> to vector<4x128x768xi1>
    %broadcast_in_dim3A_77 = vector.shape_cast %get3A_73 : vector<768xf32> to vector<1x1x768xf32>
    %broadcast_in_dim3A_78 = vector.broadcast %broadcast_in_dim3A_77 : vector<1x1x768xf32> to vector<4x128x768xf32>
    %broadcast_in_dim3A_79 = vector.broadcast %jit3A_74 : f32 to vector<4x128x768xf32>
    %select_n3A_80 = arith.select %broadcast_in_dim3A_76, %broadcast_in_dim3A_78, %broadcast_in_dim3A_79 : vector<4x128x768xi1>, vector<4x128x768xf32>
    %add3A_81 = arith.addf %add3A_66, %select_n3A_80 : vector<4x128x768xf32>
    %eq3A_82 = arith.constant 3 : i32
    %eq3A_83 = vector.broadcast %eq3A_82 : i32 to vector<4x128x1xi32>
    %eq3A_84 = arith.cmpi eq, %broadcast_in_dim3A_18, %eq3A_83 : vector<4x128x1xi32>
    %get3A_85 = arith.constant 3 : index
    %get3A_86 = arith.constant 0 : index
    %get3A_87 = vector.load %arg7[%get3A_85, %get3A_86] : memref<5x768xf32, #tpu.memory_space<vmem>>, vector<1x768xf32>
    %get3A_88 = vector.shape_cast %get3A_87 : vector<1x768xf32> to vector<768xf32>
    %jit3A_89 = arith.constant 0.000000e+00 : f32
    %broadcast_in_dim3A_90 = vector.shape_cast %eq3A_84 : vector<4x128x1xi1> to vector<4x128x1xi1>
    %broadcast_in_dim3A_91 = vector.broadcast %broadcast_in_dim3A_90 : vector<4x128x1xi1> to vector<4x128x768xi1>
    %broadcast_in_dim3A_92 = vector.shape_cast %get3A_88 : vector<768xf32> to vector<1x1x768xf32>
    %broadcast_in_dim3A_93 = vector.broadcast %broadcast_in_dim3A_92 : vector<1x1x768xf32> to vector<4x128x768xf32>
    %broadcast_in_dim3A_94 = vector.broadcast %jit3A_89 : f32 to vector<4x128x768xf32>
    %select_n3A_95 = arith.select %broadcast_in_dim3A_91, %broadcast_in_dim3A_93, %broadcast_in_dim3A_94 : vector<4x128x768xi1>, vector<4x128x768xf32>
    %add3A_96 = arith.addf %add3A_81, %select_n3A_95 : vector<4x128x768xf32>
    %eq3A_97 = arith.constant 4 : i32
    %eq3A_98 = vector.broadcast %eq3A_97 : i32 to vector<4x128x1xi32>
    %eq3A_99 = arith.cmpi eq, %broadcast_in_dim3A_18, %eq3A_98 : vector<4x128x1xi32>
    %get3A_100 = arith.constant 4 : index
    %get3A_101 = arith.constant 0 : index
    %get3A_102 = vector.load %arg7[%get3A_100, %get3A_101] : memref<5x768xf32, #tpu.memory_space<vmem>>, vector<1x768xf32>
    %get3A_103 = vector.shape_cast %get3A_102 : vector<1x768xf32> to vector<768xf32>
    %jit3A_104 = arith.constant 0.000000e+00 : f32
    %broadcast_in_dim3A_105 = vector.shape_cast %eq3A_99 : vector<4x128x1xi1> to vector<4x128x1xi1>
    %broadcast_in_dim3A_106 = vector.broadcast %broadcast_in_dim3A_105 : vector<4x128x1xi1> to vector<4x128x768xi1>
    %broadcast_in_dim3A_107 = vector.shape_cast %get3A_103 : vector<768xf32> to vector<1x1x768xf32>
    %broadcast_in_dim3A_108 = vector.broadcast %broadcast_in_dim3A_107 : vector<1x1x768xf32> to vector<4x128x768xf32>
    %broadcast_in_dim3A_109 = vector.broadcast %jit3A_104 : f32 to vector<4x128x768xf32>
    %select_n3A_110 = arith.select %broadcast_in_dim3A_106, %broadcast_in_dim3A_108, %broadcast_in_dim3A_109 : vector<4x128x768xi1>, vector<4x128x768xf32>
    %add3A_111 = arith.addf %add3A_96, %select_n3A_110 : vector<4x128x768xf32>
    %add3A_112 = arith.addf %add3A_35, %add3A_111 : vector<4x128x768xf32>
    %reduce_sum3A = arith.constant dense<0.000000e+00> : vector<4x128xf32>
    %reduce_sum3A_113 = vector.multi_reduction <add>, %add3A_112, %reduce_sum3A [2] : vector<4x128x768xf32> to vector<4x128xf32>
    %broadcast_in_dim3A_114 = vector.shape_cast %reduce_sum3A_113 : vector<4x128xf32> to vector<4x128x1xf32>
    %div3A = arith.constant 7.680000e+02 : f32
    %div3A_115 = vector.broadcast %div3A : f32 to vector<4x128x1xf32>
    %div3A_116 = arith.divf %broadcast_in_dim3A_114, %div3A_115 : vector<4x128x1xf32>
    %sub3A = vector.broadcast %div3A_116 : vector<4x128x1xf32> to vector<4x128x768xf32>
    %sub3A_117 = arith.subf %add3A_112, %sub3A : vector<4x128x768xf32>
    %mul3A = arith.mulf %sub3A_117, %sub3A_117 : vector<4x128x768xf32>
    %reduce_sum3A_118 = arith.constant dense<0.000000e+00> : vector<4x128xf32>
    %reduce_sum3A_119 = vector.multi_reduction <add>, %mul3A, %reduce_sum3A_118 [2] : vector<4x128x768xf32> to vector<4x128xf32>
    %broadcast_in_dim3A_120 = vector.shape_cast %reduce_sum3A_119 : vector<4x128xf32> to vector<4x128x1xf32>
    %div3A_121 = arith.constant 7.680000e+02 : f32
    %div3A_122 = vector.broadcast %div3A_121 : f32 to vector<4x128x1xf32>
    %div3A_123 = arith.divf %broadcast_in_dim3A_120, %div3A_122 : vector<4x128x1xf32>
    %add3A_124 = arith.constant 9.99999996E-13 : f32
    %add3A_125 = vector.broadcast %add3A_124 : f32 to vector<4x128x1xf32>
    %add3A_126 = arith.addf %div3A_123, %add3A_125 : vector<4x128x1xf32>
    %rsqrt3A = math.rsqrt %add3A_126 : vector<4x128x1xf32>
    %mul3A_127 = vector.broadcast %rsqrt3A : vector<4x128x1xf32> to vector<4x128x768xf32>
    %mul3A_128 = arith.mulf %sub3A_117, %mul3A_127 : vector<4x128x768xf32>
    %get3A_129 = arith.constant 0 : index
    %get3A_130 = arith.constant 0 : index
    %get3A_131 = vector.load %arg8[%get3A_129, %get3A_130] : memref<1x768xf32, #tpu.memory_space<vmem>>, vector<1x768xf32>
    %get3A_132 = vector.shape_cast %get3A_131 : vector<1x768xf32> to vector<768xf32>
    %broadcast_in_dim3A_133 = vector.shape_cast %get3A_132 : vector<768xf32> to vector<1x1x768xf32>
    %mul3A_134 = vector.broadcast %broadcast_in_dim3A_133 : vector<1x1x768xf32> to vector<4x128x768xf32>
    %mul3A_135 = arith.mulf %mul3A_128, %mul3A_134 : vector<4x128x768xf32>
    %get3A_136 = arith.constant 0 : index
    %get3A_137 = arith.constant 0 : index
    %get3A_138 = vector.load %arg9[%get3A_136, %get3A_137] : memref<1x768xf32, #tpu.memory_space<vmem>>, vector<1x768xf32>
    %get3A_139 = vector.shape_cast %get3A_138 : vector<1x768xf32> to vector<768xf32>
    %broadcast_in_dim3A_140 = vector.shape_cast %get3A_139 : vector<768xf32> to vector<1x1x768xf32>
    %add3A_141 = vector.broadcast %broadcast_in_dim3A_140 : vector<1x1x768xf32> to vector<4x128x768xf32>
    %add3A_142 = arith.addf %mul3A_135, %add3A_141 : vector<4x128x768xf32>
    %swap3A = arith.constant 0 : index
    %swap3A_143 = arith.constant 0 : index
    %swap3A_144 = arith.constant 0 : index
    %swap3A_145 = vector.load %arg10[%swap3A, %swap3A_143, %swap3A_144] : memref<4x128x768xf32, #tpu.memory_space<vmem>>, vector<4x128x768xf32>
    tpu.vector_store %arg10[%swap3A, %swap3A_143, %swap3A_144], %add3A_142 {strides = array<i32>} : memref<4x128x768xf32, #tpu.memory_space<vmem>>, vector<4x128x768xf32>,
    return
  }
  func.func @transform_1(%arg0: i32) -> (i32, i32, i32) {
    %c0_i32 = arith.constant 0 : i32
    %c0_i32_0 = arith.constant 0 : i32
    %c0_i32_1 = arith.constant 0 : i32
    return %c0_i32, %c0_i32_0, %arg0 : i32, i32, i32
  }
  func.func @transform_2(%arg0: i32) -> (i32, i32, i32) {
    %c0_i32 = arith.constant 0 : i32
    %c0_i32_0 = arith.constant 0 : i32
    %c0_i32_1 = arith.constant 0 : i32
    return %c0_i32, %c0_i32_0, %arg0 : i32, i32, i32
  }
  func.func @transform_3(%arg0: i32) -> (i32, i32, i32) {
    %c0_i32 = arith.constant 0 : i32
    %c0_i32_0 = arith.constant 0 : i32
    %c0_i32_1 = arith.constant 0 : i32
    return %c0_i32, %arg0, %c0_i32_0 : i32, i32, i32
  }
  func.func @transform_4(%arg0: i32) -> (i32, i32) {
    %add3A = arith.constant 8 : i32
    %add3A_0 = arith.addi %add3A, %arg0 : i32
    %c0_i32 = arith.constant 0 : i32
    %c0_i32_1 = arith.constant 0 : i32
    return %add3A_0, %c0_i32 : i32, i32
  }
  func.func @transform_5(%arg0: i32) -> (i32, i32) {
    %c0_i32 = arith.constant 0 : i32
    %c0_i32_0 = arith.constant 0 : i32
    %c0_i32_1 = arith.constant 0 : i32
    return %c0_i32, %c0_i32_0 : i32, i32
  }
  func.func @transform_6(%arg0: i32) -> (i32, i32) {
    %c0_i32 = arith.constant 0 : i32
    %c0_i32_0 = arith.constant 0 : i32
    %c0_i32_1 = arith.constant 0 : i32
    return %c0_i32, %c0_i32_0 : i32, i32
  }
  func.func @transform_7(%arg0: i32) -> (i32, i32) {
    %c0_i32 = arith.constant 0 : i32
    %c0_i32_0 = arith.constant 0 : i32
    %c0_i32_1 = arith.constant 0 : i32
    return %c0_i32, %c0_i32_0 : i32, i32
  }
  func.func @transform_8(%arg0: i32) -> (i32, i32) {
    %c0_i32 = arith.constant 0 : i32
    %c0_i32_0 = arith.constant 0 : i32
    %c0_i32_1 = arith.constant 0 : i32
    return %c0_i32, %c0_i32_0 : i32, i32
  }
  func.func @transform_9(%arg0: i32) -> (i32, i32, i32) {
    %add3A = arith.constant 8 : i32
    %add3A_0 = arith.addi %add3A, %arg0 : i32
    %c0_i32 = arith.constant 0 : i32
    %c0_i32_1 = arith.constant 0 : i32
    %c0_i32_2 = arith.constant 0 : i32
    return %c0_i32, %add3A_0, %c0_i32_1 : i32, i32, i32
  }
}

</mosaic_0001>

<sc_bundles>
// kernel: kernel.6.cloned.1.call-start
scs
__scs_entry_jumppad:
0x0: {  	(pc) =	sbr.rel $0x88, $3  }
0x1: {  	(tag) =	ssettag $0x0;
	lr =	simm.s32 $0x1  }
0x2: {  	[smem:$0x3F98] =	sst lr;
	_ =	strace $0xD0000000  }
0x3: {  	_ = 	snop  }
0x4: {  	_ = 	snop  }
0x5: {  	_ = 	snop  }
0x6: {  	_ = 	snop  }
0x7: {  	_ = 	snop  }
__scs_overlays_trampoline_lowered:
0x8: {  	[smem:$0x3FA7] =	sst s0  }
0x9: {  	[smem:$0x3FA8] =	sst s1  }
0xa: {  	[smem:$0x3FA9] =	sst s2  }
0xb: {  	[smem:$0x3FAA] =	sst s3  }
0xc: {  	[smem:$0x3FAB] =	sst s4  }
0xd: {  	[smem:$0x3FAC] =	sst s5  }
0xe: {  	[smem:$0x3FAD] =	sst s6  }
0xf: {  	[smem:$0x3FAE] =	sst s7  }
0x10: {  	[smem:$0x3FAF] =	sst s8  }
0x11: {  	[smem:$0x3FB0] =	sst s9;
	s0 =	simm.s32 @!p0 $0x0  }
0x12: {  	s1 =	sld [smem:$0x3F96];
	s0 =	simm.s32 @p0 $0x1  }
0x13: {  	[smem:$0x3FB1] =	sst s0;
	s0 =	simm.s32 @!p1 $0x0  }
0x14: {  	s2 =	sld [smem:$0x3F95];
	s0 =	simm.s32 @p1 $0x1  }
0x15: {  	[smem:$0x3FB2] =	sst s0;
	s0 =	simm.s32 @!p2 $0x0  }
0x16: {  	s3 =	sld [smem:$0x3FDB];
	s0 =	simm.s32 @p2 $0x1  }
0x17: {  	s4 =	simm.s32 $0x1BF5;
	[smem:$0x3FB4] =	sst s0  }
0x18: {  	s0 =	sld [smem:$0x3F97];
	_ =	swait.ge [sflag:s4], $0x0  }
0x19: {  	s7 =	sld [smem:$0x3F98]  }
0x1a: {  	s8 =	sadd.s32 $0xFFFFE003, lr  }
0x1b: {  	s9 =	sadd.s32 $0xFFFFFEF7, lr;
	s5 =	simm.s32 $0xFFFFFFFF;
	p2 =	slt.u32 s8, $0xFFFFF086  }
0x1c: {  	p1 =	slt.u32 s9, $0xF7A;
	s5 =	simm.s32 @!p2 $0x0  }
0x1d: {  	s5 =	simm.s32 @p1 $0x1;
	p0 =	seq.s32 s7, s2  }
0x1e: {  	s7 =	smul.u32 @!p0 $0xF7A, s2;
	p2 =	seq.s32 @!p0 s5, $0x0  }
0x1f: {  	s9 =	smul.u32 $0xF7A, s1;
	s8 =	simm.s32 @!p0 $0x1BF5;
	p2 =	por !p2, p0  }
0x20: {  	[sflag:s8] =	ssyncset.s32 @!p0 $0xFFFFF086;
	s6 =	sadd.s32 @!p0 s3, s7;
	s7 =	simm.s32 @!p0 $0x108  }
0x21: {  	s3 =	sadd.s32 s3, s9;
	s6 =	sadd.s32 @!p0 $0x88, s6;
	s7 =	simm.s32 @p2 $0x1082  }
0x22: {  	[simem:s7], [sflag:s8] =	dma.local @!p0 [hbm:s6], $0xF7A  }
0x23: {  	s9 =	sor.u32 $0xD0000000, s2;
	s6 =	simm.s32 $0x108;
	_ =	swait.ge @!p0 [sflag:s8], $0x0  }
0x24: {  	s3 =	sadd.s32 $0x88, s3;
	s6 =	simm.s32 @!p1 $0x1082;
	[sflag:s4] =	ssyncset.s32 $0xFFFFF086  }
0x25: {  	[simem:s6], [sflag:s4] =	dma.local [hbm:s3], $0xF7A  }
0x26: {  	[smem:$0x3F98] =	sst s1;
	(tag) =	ssettag s2;
	_ =	strace s9  }
0x27: {  	s1 =	sld [smem:$0x3FA8]  }
0x28: {  	s2 =	sld [smem:$0x3FA9]  }
0x29: {  	s4 =	sld [smem:$0x3FAB]  }
0x2a: {  	p0 =	seq.s32 s5, $0x0;
	s5 =	sld [smem:$0x3FAC]  }
0x2b: {  	s6 =	sld [smem:$0x3FAD]  }
0x2c: {  	s7 =	sld [smem:$0x3FAE]  }
0x2d: {  	s3 =	simm.s32 $0x108;
	s8 =	sld [smem:$0x3FAF]  }
0x2e: {  	s3 =	simm.s32 @!p0 $0x1082;
	s9 =	sld [smem:$0x3FB0]  }
0x2f: {  	lr =	sadd.s32 s0, s3;
	s0 =	sld [smem:$0x3FA7]  }
0x30: {  	s3 =	sld [smem:$0x3FAA]  }
0x31: {  	[smem:$0x3FB3] =	sst s10  }
0x32: {  	s10 =	sld [smem:$0x3FB1];
	_ =	sdelay $0x3  }
0x33: {  	p0 =	seq.s32 s10, $0x1;
	s10 =	sld [smem:$0x3FB3];
	_ =	sdelay $0x3  }
0x34: {  	[smem:$0x3FB3] =	sst s10  }
0x35: {  	s10 =	sld [smem:$0x3FB2];
	_ =	sdelay $0x3  }
0x36: {  	p1 =	seq.s32 s10, $0x1;
	s10 =	sld [smem:$0x3FB3];
	_ =	sdelay $0x3  }
0x37: {  	[smem:$0x3FB3] =	sst s10  }
0x38: {  	s10 =	sld [smem:$0x3FB4]  }
0x39: {  	_ = 	snop;
	(pc) =	sbr.ind lr, $3  }
0x3a: {  	_ = 	snop  }
0x3b: {  	_ = 	snop  }
0x3c: {  	p2 =	seq.s32 s10, $0x1;
	s10 =	sld [smem:$0x3FB3]  }
0x3d: {  	_ =	shalt  }
0x3e: {  	_ =	shalt  }
0x3f: {  	_ =	shalt  }
0x40: {  	_ =	shalt  }
0x41: {  	_ =	shalt  }
0x42: {  	_ =	shalt  }
0x43: {  	_ =	shalt  }
0x44: {  	_ =	shalt  }
0x45: {  	_ =	shalt  }
0x46: {  	_ =	shalt  }
0x47: {  	_ =	shalt  }
0x48: {  	_ =	shalt  }
0x49: {  	_ =	shalt  }
0x4a: {  	_ =	shalt  }
0x4b: {  	_ =	shalt  }
0x4c: {  	_ =	shalt  }
0x4d: {  	_ =	shalt  }
0x4e: {  	_ =	shalt  }
0x4f: {  	_ =	shalt  }
0x50: {  	_ =	shalt  }
0x51: {  	_ =	shalt  }
0x52: {  	_ =	shalt  }
0x53: {  	_ =	shalt  }
0x54: {  	_ =	shalt  }
0x55: {  	_ =	shalt  }
0x56: {  	_ =	shalt  }
0x57: {  	_ =	shalt  }
0x58: {  	_ =	shalt  }
0x59: {  	_ =	shalt  }
0x5a: {  	_ =	shalt  }
0x5b: {  	_ =	shalt  }
0x5c: {  	_ =	shalt  }
0x5d: {  	_ =	shalt  }
0x5e: {  	_ =	shalt  }
0x5f: {  	_ =	shalt  }
0x60: {  	_ =	shalt  }
0x61: {  	_ =	shalt  }
0x62: {  	_ =	shalt  }
0x63: {  	_ =	shalt  }
0x64: {  	_ =	shalt  }
0x65: {  	_ =	shalt  }
0x66: {  	_ =	shalt  }
0x67: {  	_ =	shalt  }
0x68: {  	_ =	shalt  }
0x69: {  	_ =	shalt  }
0x6a: {  	_ =	shalt  }
0x6b: {  	_ =	shalt  }
0x6c: {  	_ =	shalt  }
0x6d: {  	_ =	shalt  }
0x6e: {  	_ =	shalt  }
0x6f: {  	_ =	shalt  }
0x70: {  	_ =	shalt  }
0x71: {  	_ =	shalt  }
0x72: {  	_ =	shalt  }
0x73: {  	_ =	shalt  }
0x74: {  	_ =	shalt  }
0x75: {  	_ =	shalt  }
0x76: {  	_ =	shalt  }
0x77: {  	_ =	shalt  }
0x78: {  	_ =	shalt  }
0x79: {  	_ =	shalt  }
0x7a: {  	_ =	shalt  }
0x7b: {  	_ =	shalt  }
0x7c: {  	_ =	shalt  }
0x7d: {  	_ =	shalt  }
0x7e: {  	_ =	shalt  }
0x7f: {  	_ =	shalt  }
0x80: {  	_ =	shalt  }
0x81: {  	_ =	shalt  }
0x82: {  	_ =	shalt  }
0x83: {  	_ =	shalt  }
0x84: {  	_ =	shalt  }
0x85: {  	_ =	shalt  }
0x86: {  	_ =	shalt  }
0x87: {  	_ =	shalt  }
.Lfunc_end0:
.L_simem_size_0:
called_computation_lowered:
.L_overlay_start_0:
0x88: {  	s2 =	sld [smem:$0x3FD9]  }
0x89: {  	s3 =	sld [smem:$0x3FFE];
	_ =	sdelay $0x1  }
0x8a: {  	s1 =	srdreg.scid  }
0x8b: {  	s0 =	sand.u32 $0x1, s1  }
0x8c: {  	s17 =	sshll.u32 s0, $0xA;
	s2 =	sadd.s32 s3, s2  }
0x8d: {  	s2 =	sadd.s32 s2, s17  }
0x8e: {  	[smem:$0x3FBF] =	sst s2  }
0x8f: {  	_ = 	snop  }
0x90: {  	s2 =	sld [smem:$0x3FC6]  }
0x91: {  	s18 =	sld [smem:$0x3FD0];
	(tm) =	ssettm $0x1  }
0x92: {  	s4 =	sld [smem:$0x3FFB];
	_ =	sdelay $0x3  }
0x93: {  	_ =	strace s4  }
0x94: {  	s4 =	sld [smem:$0x3FFC];
	_ =	sdelay $0x3  }
0x95: {  	_ =	strace s4  }
0x96: {  	s4 =	sld [smem:$0x3FFD];
	_ =	sdelay $0x3  }
0x97: {  	_ =	strace s4  }
0x98: {  	_ =	strace $0x8FFFFFFF  }
0x99: {  	s19 =	sld [smem:$0x3FDB];
	_ =	sdelay $0x1  }
0x9a: {  	s5 =	simm.s32 $_scs_section_size  }
0x9b: {  	s6 =	simm.s32 $_size__tile_overlayer_lowered;
	s7 =	simm.s32 $_tile_overlayer_lowered  }
0x9c: {  	s22 =	simm.s32 $0x1BFF;
	s21 =	sshll.u32 s7, $0x1;
	s4 =	sadd.s32 s5, s19  }
0x9d: {  	s8 =	simm.s32 $0x0;
	s20 =	sshll.u32 s6, $0x1;
	s6 =	sadd.s32 s21, s4  }
0x9e: {  	[timem:s8], [sflag:s22] =	dma.local [hbm:s6], s20  }
0x9f: {  	_ =	swait.ge [sflag:s22], s20  }
0xa0: {  	s5 =	ssub.s32 $0x0, s20;
	[sflag:s22] =	ssyncset.done $0x0  }
0xa1: {  	[sflag:s22] =	ssyncadd.s32 s5;
	_ =	sdelay $0x1  }
0xa2: {  	s23 =	simm.s32 $0x1B8B  }
0xa3: {  	_ =	swait.ge [sflag:s23], $0x1  }
0xa4: {  	[sflag:s23] =	ssyncset.done $0x0  }
0xa5: {  	s25 =	simm.s32 $0x1B8E;
	s24 =	sld [smem:$0x3FFE];
	[sflag:s23] =	ssyncadd.s32 $0xFFFFFFFF  }
0xa6: {  	s26 =	simm.s32 $execute0_lowered;
	[smem:$0x3FD2] =	sst s25  }
0xa7: {  	s6 =	sshll.u32 s26, $0x1;
	_ =	strace $0x80000046;
	[dreg:$0x1] =	wrdreg $0xFFFFFFFF  }
0xa8: {  	s28 =	simm.s32 $_size_execute0_lowered;
	s4 =	sadd.s32 s4, s6;
	[dreg:$0x0] =	wrdreg $0x0  }
0xa9: {  	s6 =	sshll.u32 s28, $0x1;
	[dreg:$0x2] =	wrdreg s4  }
0xaa: {  	[dreg:$0x3] =	wrdreg s6  }
0xab: {  	[dreg:$0x4] =	wrdreg $0xC0  }
0xac: {  	_ =	task [dreg:s8], $0x5FFFF  }
0xad: {  	[dreg:$0x1] =	wrdreg $0xFFFFFFFF  }
0xae: {  	[dreg:$0x0] =	wrdreg $0x60  }
0xaf: {  	[dreg:$0x2] =	wrdreg s2  }
0xb0: {  	[dreg:$0x3] =	wrdreg s24  }
0xb1: {  	[dreg:$0x4] =	wrdreg s18  }
0xb2: {  	[dreg:$0x5] =	wrdreg $0x9  }
0xb3: {  	_ =	task.clear_ibuf [dreg:s8], $0x6FFFF;
	_ =	strace $0x90000046  }
0xb4: {  	s29 =	simm.s32 $0x9;
	_ =	strace $0x80000048  }
0xb5: {  	_ =	swait.ge [sflag:s29], $0x1  }
0xb6: {  	[sflag:s29] =	ssyncadd.s32 $0xFFFFFFFF  }
0xb7: {  	_ =	strace $0x90000048  }
0xb8: {  	_ =	sfence  }
0xb9: {  	s30 =	sld [smem:$0x0];
	_ =	sdelay $0x2  }
0xba: {  	s31 =	sshll.u32 s1, $0xD;
	s1 =	sshrl.u32 s1, $0x2  }
0xbb: {  	s3 =	sand.u32 $0x4000, s31;
	s1 =	sadd.s32 s1, s30  }
0xbc: {  	s0 =	sor.u32 s3, s0;
	s1 =	sshll.u32 s1, $0x11  }
0xbd: {  	s0 =	sor.u32 s1, s0  }
0xbe: {  	s0 =	sadd.s32 $0x8F2B, s0  }
0xbf: {  	[sflag:s0] =	ssyncadd.remote.s32 $0x1  }
0xc0: {  	_ =	sfence.sel $0xFFFF  }
0xc1: {  	[dreg:$0x0] =	wrdreg $0xFFFFFFFF;
	(pc) =	sbr.abs _section_cstart, $3  }
0xc2: {  	[dreg:$0x1] =	wrdreg $0xFFFFFFFF  }
0xc3: {  	_ =	task.clear_ibuf [dreg:s8], $0x2FFFF;
	_ =	strace $0x9FFFFFFF  }
0xc4: {  	(tm) =	ssettm $0x7FFFFFFF  }
0xc5: {  	_ =	shalt  }
tec
execute0_lowered:
.L_overlay_start_1:
0x0: {  	(tag) =	ssettag $0x1  }
0x1: {  	s1 =	rddreg [dreg:$0x0]  }
0x2: {  	s4 =	rddreg [dreg:$0x1]  }
0x3: {  	s5 =	rddreg [dreg:$0x2];
	s3 =	simm.s32 $0x0  }
0x4: {  	s23 =	simm.s32 $0x880;
	[smem:$0x7FF] =	sst s3  }
0x5: {  	s24 =	simm.s32 $0x1080;
	_ =	strace $0x80000047;
	[dreg:$0x6] =	wrdreg s23  }
0x6: {  	s25 =	simm.s32 $0x1880;
	[dreg:$0x7] =	wrdreg s24  }
0x7: {  	s0 =	stileid.u32;
	s26 =	simm.s32 $0x2080;
	[dreg:$0x8] =	wrdreg s25  }
0x8: {  	s6 =	sshll.u32 s0, $0x5;
	s0 =	simm.s32 $0x2880;
	[dreg:$0x9] =	wrdreg s26  }
0x9: {  	s8 =	simm.s32 $0x4880;
	[dreg:$0xa] =	wrdreg s0  }
0xa: {  	s9 =	simm.s32 $0x5080;
	[dreg:$0xe] =	wrdreg s8  }
0xb: {  	s10 =	simm.s32 $0x5880;
	[dreg:$0xf] =	wrdreg s9  }
0xc: {  	s11 =	simm.s32 $0x6080;
	[dreg:$0x10] =	wrdreg s10  }
0xd: {  	s12 =	simm.s32 $0x6880;
	[dreg:$0x11] =	wrdreg s11  }
0xe: {  	s13 =	simm.s32 $0x7080;
	[dreg:$0x12] =	wrdreg s12  }
0xf: {  	s14 =	simm.s32 $0x7880;
	[dreg:$0x13] =	wrdreg s13  }
0x10: {  	s2 =	srdreg.scid;
	s15 =	simm.s32 $0x8080;
	[dreg:$0x14] =	wrdreg s14  }
0x11: {  	s16 =	simm.s32 $0x8880;
	s17 =	simm.s32 $0x9080;
	[dreg:$0x15] =	wrdreg s15  }
0x12: {  	s18 =	simm.s32 $0x9880;
	s20 =	simm.s32 $0xA080;
	[dreg:$0x16] =	wrdreg s16  }
0x13: {  	s21 =	simm.s32 $0xA880;
	s28 =	simm.s32 $0x16880;
	[dreg:$0x17] =	wrdreg s17  }
0x14: {  	s29 =	simm.s32 $0x17080;
	s30 =	simm.s32 $0x17880;
	[dreg:$0x18] =	wrdreg s18  }
0x15: {  	s31 =	simm.s32 $0x1;
	s2 =	sand.u32 $0x1, s2;
	[dreg:$0x19] =	wrdreg s20  }
0x16: {  	s7 =	sshll.u32 s2, $0x4;
	s2 =	ssub.s32 $0x2, s2;
	[dreg:$0x1a] =	wrdreg s21  }
0x17: {  	s23 =	simm.s32 $0xB880;
	s24 =	simm.s32 $0xC080;
	s25 =	simm.s32 $0xC880  }
0x18: {  	s8 =	simm.s32 $0x80;
	s26 =	simm.s32 $0xD080;
	s10 =	simm.s32 $0xE080  }
0x19: {  	s11 =	simm.s32 $0xE880;
	s12 =	simm.s32 $0xF080;
	s13 =	simm.s32 $0xF880  }
0x1a: {  	s14 =	simm.s32 $0x10080;
	s15 =	simm.s32 $0x10880;
	s16 =	simm.s32 $0x11080  }
0x1b: {  	s17 =	simm.s32 $0x11880;
	s18 =	simm.s32 $0x12080;
	[dreg:$0x1c] =	wrdreg s23  }
0x1c: {  	s20 =	simm.s32 $0x13080;
	s21 =	simm.s32 $0x13880;
	[dreg:$0x1d] =	wrdreg s24  }
0x1d: {  	s6 =	sor.u32 s7, s6;
	s7 =	simm.s32 $0x4080;
	[dreg:$0x1e] =	wrdreg s25  }
0x1e: {  	s19 =	sshrl.u32 s2, $0x1;
	[dreg:$0x1f] =	wrdreg s26;
	s23 =	simm.s32 $0x14880  }
0x1f: {  	s24 =	simm.s32 $0x15080;
	s4 =	sadd.s32 s6, s4;
	s6 =	smul.u32 $0x300, s6  }
0x20: {  	s25 =	simm.s32 $0x15880;
	[dreg:$0xd] =	wrdreg s7;
	s4 =	sadd.s32 $0x1E00, s4  }
0x21: {  	s26 =	simm.s32 $0x16080;
	[dreg:$0x4] =	wrdreg s4;
	s22 =	sadd.s32 s5, s6  }
0x22: {  	s2 =	ssub.s32 s2, s19;
	s5 =	simm.s32 $0x3080;
	[dreg:$0x5] =	wrdreg s22  }
0x23: {  	s7 =	simm.s32 $0x3;
	s6 =	simm.s32 $0x3880;
	[dreg:$0xb] =	wrdreg s5  }
0x24: {  	v2 =	vlaneseq.u32;
	s19 =	simm.s32 $0x12880;
	s4 =	sadd.s32 $0x100, s1;
	[dreg:$0xc] =	wrdreg s6  }
0x25: {  	vm0 =	vmmov $0xffff;
	v1 =	vshrl.u32 v2, $0x3;
	s22 =	simm.s32 $0xB080;
	s5 =	sadd.s32 $0x200, s1;
	s6 =	smax.u32 s2, $0x1  }
0x26: {  	v0 =	vand.u32 $0x7, v2;
	v2 =	vor.u32 $0x8, v2;
	v1 =	vmul.u32 $0x8, v1;
	s2 =	simm.s32 $0x2;
	[dreg:$0x1b] =	wrdreg s22;
	s22 =	simm.s32 $0x14080  }
.LBB2_1:
0x27: {  	s0 =	rddreg [dreg:$0x4]  }
0x28: {  	[tilespmem:s3], [sflag:$0x3] =	stream.linear.gather [hbm4b:s0+s3], $0x80, $0x38;
	[tilespmem:$0x18080] =	vst v63  }
0x29: {  	_ =	swait.ge [sflag:s7], $0x80  }
0x2a: {  	[sflag:s7] =	ssyncset.done $0x0  }
0x2b: {  	[sflag:s7] =	ssyncadd.s32 $0xFFFFFF80  }
0x2c: {  	v3 =	vld [tilespmem:$0x0];
	_ =	sdelay $0x4  }
0x2d: {  	v4 =	vshrl.u32 v3, $0x3  }
0x2e: {  	v4 =	vmul.u32 $0x30, v4  }
0x2f: {  	v3 =	vand.u32 $0x7, v3  }
0x30: {  	v3 =	vor.u32 v3, v4  }
0x31: {  	v4 =	vperm.xlane v3, v0;
	_ =	sdelay $0x1  }
0x32: {  	v4 =	vadd.s32 v1, v4;
	_ =	sdelay $0x3  }
0x33: {  	v3 =	vperm.xlane v3, v2  }
0x34: {  	[tilespmem:s8], [sflag:$0x1] =	stream.indirect_vreg.gather [hbm4b:s1+s3], $0x80, v4, vm0, $0xb8;
	[tilespmem:$0x18080] =	vst v63  }
0x35: {  	s0 =	rddreg [dreg:$0x6];
	v3 =	vadd.s32 v1, v3  }
0x36: {  	[tilespmem:s0], [sflag:$0x1] =	stream.indirect_vreg.gather [hbm4b:s4+s3], $0x80, v4, vm0, $0xb8;
	[tilespmem:$0x18080] =	vst v63  }
0x37: {  	s9 =	rddreg [dreg:$0x7]  }
0x38: {  	[tilespmem:s9], [sflag:$0x1] =	stream.indirect_vreg.gather [hbm4b:s5+s3], $0x80, v4, vm0, $0xb8;
	[tilespmem:$0x18080] =	vst v63  }
0x39: {  	s0 =	rddreg [dreg:$0x8]  }
0x3a: {  	[tilespmem:s0], [sflag:$0x1] =	stream.indirect_vreg.gather [hbm4b:s1+s3], $0x80, v3, vm0, $0xb8;
	[tilespmem:$0x18080] =	vst v63  }
0x3b: {  	s9 =	rddreg [dreg:$0x9]  }
0x3c: {  	[tilespmem:s9], [sflag:$0x1] =	stream.indirect_vreg.gather [hbm4b:s4+s3], $0x80, v3, vm0, $0xb8;
	[tilespmem:$0x18080] =	vst v63  }
0x3d: {  	s0 =	rddreg [dreg:$0xa]  }
0x3e: {  	[tilespmem:s0], [sflag:$0x1] =	stream.indirect_vreg.gather [hbm4b:s5+s3], $0x80, v3, vm0, $0xb8;
	[tilespmem:$0x18080] =	vst v63  }
0x3f: {  	v3 =	vld [tilespmem:$0x10];
	_ =	sdelay $0x4  }
0x40: {  	v57 =	vshrl.u32 v3, $0x3  }
0x41: {  	v4 =	vmul.u32 $0x30, v57  }
0x42: {  	v3 =	vand.u32 $0x7, v3  }
0x43: {  	v3 =	vor.u32 v3, v4  }
0x44: {  	v4 =	vperm.xlane v3, v0;
	_ =	sdelay $0x1  }
0x45: {  	v4 =	vadd.s32 v1, v4;
	_ =	sdelay $0x3  }
0x46: {  	s0 =	rddreg [dreg:$0xb];
	v3 =	vperm.xlane v3, v2  }
0x47: {  	[tilespmem:s0], [sflag:$0x1] =	stream.indirect_vreg.gather [hbm4b:s1+s3], $0x80, v4, vm0, $0xb8;
	[tilespmem:$0x18080] =	vst v63  }
0x48: {  	s9 =	rddreg [dreg:$0xc];
	v3 =	vadd.s32 v1, v3  }
0x49: {  	[tilespmem:s9], [sflag:$0x1] =	stream.indirect_vreg.gather [hbm4b:s4+s3], $0x80, v4, vm0, $0xb8;
	[tilespmem:$0x18080] =	vst v63  }
0x4a: {  	s0 =	rddreg [dreg:$0xd]  }
0x4b: {  	[tilespmem:s0], [sflag:$0x1] =	stream.indirect_vreg.gather [hbm4b:s5+s3], $0x80, v4, vm0, $0xb8;
	[tilespmem:$0x18080] =	vst v63  }
0x4c: {  	s9 =	rddreg [dreg:$0xe]  }
0x4d: {  	[tilespmem:s9], [sflag:$0x1] =	stream.indirect_vreg.gather [hbm4b:s1+s3], $0x80, v3, vm0, $0xb8;
	[tilespmem:$0x18080] =	vst v63  }
0x4e: {  	s0 =	rddreg [dreg:$0xf]  }
0x4f: {  	[tilespmem:s0], [sflag:$0x1] =	stream.indirect_vreg.gather [hbm4b:s4+s3], $0x80, v3, vm0, $0xb8;
	[tilespmem:$0x18080] =	vst v63  }
0x50: {  	s9 =	rddreg [dreg:$0x10]  }
0x51: {  	[tilespmem:s9], [sflag:$0x1] =	stream.indirect_vreg.gather [hbm4b:s5+s3], $0x80, v3, vm0, $0xb8;
	[tilespmem:$0x18080] =	vst v63  }
0x52: {  	v3 =	vld [tilespmem:$0x20];
	_ =	sdelay $0x4  }
0x53: {  	v58 =	vshrl.u32 v3, $0x3  }
0x54: {  	v4 =	vmul.u32 $0x30, v58  }
0x55: {  	v3 =	vand.u32 $0x7, v3  }
0x56: {  	v3 =	vor.u32 v3, v4  }
0x57: {  	v4 =	vperm.xlane v3, v0;
	_ =	sdelay $0x1  }
0x58: {  	v4 =	vadd.s32 v1, v4;
	_ =	sdelay $0x3  }
0x59: {  	s0 =	rddreg [dreg:$0x11];
	v3 =	vperm.xlane v3, v2  }
0x5a: {  	[tilespmem:s0], [sflag:$0x1] =	stream.indirect_vreg.gather [hbm4b:s1+s3], $0x80, v4, vm0, $0xb8;
	[tilespmem:$0x18080] =	vst v63  }
0x5b: {  	s9 =	rddreg [dreg:$0x12];
	v3 =	vadd.s32 v1, v3  }
0x5c: {  	[tilespmem:s9], [sflag:$0x1] =	stream.indirect_vreg.gather [hbm4b:s4+s3], $0x80, v4, vm0, $0xb8;
	[tilespmem:$0x18080] =	vst v63  }
0x5d: {  	s0 =	rddreg [dreg:$0x13]  }
0x5e: {  	[tilespmem:s0], [sflag:$0x1] =	stream.indirect_vreg.gather [hbm4b:s5+s3], $0x80, v4, vm0, $0xb8;
	[tilespmem:$0x18080] =	vst v63  }
0x5f: {  	s9 =	rddreg [dreg:$0x14]  }
0x60: {  	[tilespmem:s9], [sflag:$0x1] =	stream.indirect_vreg.gather [hbm4b:s1+s3], $0x80, v3, vm0, $0xb8;
	[tilespmem:$0x18080] =	vst v63  }
0x61: {  	s0 =	rddreg [dreg:$0x15]  }
0x62: {  	[tilespmem:s0], [sflag:$0x1] =	stream.indirect_vreg.gather [hbm4b:s4+s3], $0x80, v3, vm0, $0xb8;
	[tilespmem:$0x18080] =	vst v63  }
0x63: {  	s9 =	rddreg [dreg:$0x16]  }
0x64: {  	[tilespmem:s9], [sflag:$0x1] =	stream.indirect_vreg.gather [hbm4b:s5+s3], $0x80, v3, vm0, $0xb8;
	[tilespmem:$0x18080] =	vst v63  }
0x65: {  	v3 =	vld [tilespmem:$0x30];
	_ =	sdelay $0x4  }
0x66: {  	v59 =	vshrl.u32 v3, $0x3  }
0x67: {  	v4 =	vmul.u32 $0x30, v59  }
0x68: {  	v3 =	vand.u32 $0x7, v3  }
0x69: {  	v3 =	vor.u32 v3, v4  }
0x6a: {  	v4 =	vperm.xlane v3, v0;
	_ =	sdelay $0x1  }
0x6b: {  	v4 =	vadd.s32 v1, v4;
	_ =	sdelay $0x3  }
0x6c: {  	s0 =	rddreg [dreg:$0x17];
	v3 =	vperm.xlane v3, v2  }
0x6d: {  	[tilespmem:s0], [sflag:$0x1] =	stream.indirect_vreg.gather [hbm4b:s1+s3], $0x80, v4, vm0, $0xb8;
	[tilespmem:$0x18080] =	vst v63  }
0x6e: {  	s9 =	rddreg [dreg:$0x18];
	v3 =	vadd.s32 v1, v3  }
0x6f: {  	[tilespmem:s9], [sflag:$0x1] =	stream.indirect_vreg.gather [hbm4b:s4+s3], $0x80, v4, vm0, $0xb8;
	[tilespmem:$0x18080] =	vst v63  }
0x70: {  	s0 =	rddreg [dreg:$0x19]  }
0x71: {  	[tilespmem:s0], [sflag:$0x1] =	stream.indirect_vreg.gather [hbm4b:s5+s3], $0x80, v4, vm0, $0xb8;
	[tilespmem:$0x18080] =	vst v63  }
0x72: {  	s9 =	rddreg [dreg:$0x1a]  }
0x73: {  	[tilespmem:s9], [sflag:$0x1] =	stream.indirect_vreg.gather [hbm4b:s1+s3], $0x80, v3, vm0, $0xb8;
	[tilespmem:$0x18080] =	vst v63  }
0x74: {  	s0 =	rddreg [dreg:$0x1b]  }
0x75: {  	[tilespmem:s0], [sflag:$0x1] =	stream.indirect_vreg.gather [hbm4b:s4+s3], $0x80, v3, vm0, $0xb8;
	[tilespmem:$0x18080] =	vst v63  }
0x76: {  	s9 =	rddreg [dreg:$0x1c]  }
0x77: {  	[tilespmem:s9], [sflag:$0x1] =	stream.indirect_vreg.gather [hbm4b:s5+s3], $0x80, v3, vm0, $0xb8;
	[tilespmem:$0x18080] =	vst v63  }
0x78: {  	v3 =	vld [tilespmem:$0x40];
	_ =	sdelay $0x4  }
0x79: {  	v60 =	vshrl.u32 v3, $0x3  }
0x7a: {  	v4 =	vmul.u32 $0x30, v60  }
0x7b: {  	v3 =	vand.u32 $0x7, v3  }
0x7c: {  	v3 =	vor.u32 v3, v4  }
0x7d: {  	v4 =	vperm.xlane v3, v0;
	_ =	sdelay $0x1  }
0x7e: {  	v4 =	vadd.s32 v1, v4;
	_ =	sdelay $0x3  }
0x7f: {  	s0 =	rddreg [dreg:$0x1d];
	v3 =	vperm.xlane v3, v2  }
0x80: {  	[tilespmem:s0], [sflag:$0x1] =	stream.indirect_vreg.gather [hbm4b:s1+s3], $0x80, v4, vm0, $0xb8;
	[tilespmem:$0x18080] =	vst v63  }
0x81: {  	s9 =	rddreg [dreg:$0x1e];
	v3 =	vadd.s32 v1, v3  }
0x82: {  	[tilespmem:s9], [sflag:$0x1] =	stream.indirect_vreg.gather [hbm4b:s4+s3], $0x80, v4, vm0, $0xb8;
	[tilespmem:$0x18080] =	vst v63  }
0x83: {  	s0 =	rddreg [dreg:$0x1f]  }
0x84: {  	[tilespmem:s0], [sflag:$0x1] =	stream.indirect_vreg.gather [hbm4b:s5+s3], $0x80, v4, vm0, $0xb8;
	[tilespmem:$0x18080] =	vst v63  }
0x85: {  	s9 =	simm.s32 $0xD880  }
0x86: {  	[tilespmem:s9], [sflag:$0x1] =	stream.indirect_vreg.gather [hbm4b:s1+s3], $0x80, v3, vm0, $0xb8;
	[tilespmem:$0x18080] =	vst v63  }
0x87: {  	_ = 	snop  }
0x88: {  	[tilespmem:s10], [sflag:$0x1] =	stream.indirect_vreg.gather [hbm4b:s4+s3], $0x80, v3, vm0, $0xb8;
	[tilespmem:$0x18080] =	vst v63  }
0x89: {  	_ = 	snop  }
0x8a: {  	[tilespmem:s11], [sflag:$0x1] =	stream.indirect_vreg.gather [hbm4b:s5+s3], $0x80, v3, vm0, $0xb8;
	[tilespmem:$0x18080] =	vst v63  }
0x8b: {  	v3 =	vld [tilespmem:$0x50];
	_ =	sdelay $0x4  }
0x8c: {  	v61 =	vshrl.u32 v3, $0x3  }
0x8d: {  	v4 =	vmul.u32 $0x30, v61  }
0x8e: {  	v3 =	vand.u32 $0x7, v3  }
0x8f: {  	v3 =	vor.u32 v3, v4  }
0x90: {  	v4 =	vperm.xlane v3, v0;
	_ =	sdelay $0x1  }
0x91: {  	v4 =	vadd.s32 v1, v4;
	_ =	sdelay $0x3  }
0x92: {  	v3 =	vperm.xlane v3, v2  }
0x93: {  	[tilespmem:s12], [sflag:$0x1] =	stream.indirect_vreg.gather [hbm4b:s1+s3], $0x80, v4, vm0, $0xb8;
	[tilespmem:$0x18080] =	vst v63  }
0x94: {  	v3 =	vadd.s32 v1, v3  }
0x95: {  	[tilespmem:s13], [sflag:$0x1] =	stream.indirect_vreg.gather [hbm4b:s4+s3], $0x80, v4, vm0, $0xb8;
	[tilespmem:$0x18080] =	vst v63  }
0x96: {  	_ = 	snop  }
0x97: {  	[tilespmem:s14], [sflag:$0x1] =	stream.indirect_vreg.gather [hbm4b:s5+s3], $0x80, v4, vm0, $0xb8;
	[tilespmem:$0x18080] =	vst v63  }
0x98: {  	_ = 	snop  }
0x99: {  	[tilespmem:s15], [sflag:$0x1] =	stream.indirect_vreg.gather [hbm4b:s1+s3], $0x80, v3, vm0, $0xb8;
	[tilespmem:$0x18080] =	vst v63  }
0x9a: {  	_ = 	snop  }
0x9b: {  	[tilespmem:s16], [sflag:$0x1] =	stream.indirect_vreg.gather [hbm4b:s4+s3], $0x80, v3, vm0, $0xb8;
	[tilespmem:$0x18080] =	vst v63  }
0x9c: {  	_ = 	snop  }
0x9d: {  	[tilespmem:s17], [sflag:$0x1] =	stream.indirect_vreg.gather [hbm4b:s5+s3], $0x80, v3, vm0, $0xb8;
	[tilespmem:$0x18080] =	vst v63  }
0x9e: {  	v3 =	vld [tilespmem:$0x60];
	_ =	sdelay $0x4  }
0x9f: {  	v62 =	vshrl.u32 v3, $0x3  }
0xa0: {  	v4 =	vmul.u32 $0x30, v62  }
0xa1: {  	v3 =	vand.u32 $0x7, v3  }
0xa2: {  	v3 =	vor.u32 v3, v4  }
0xa3: {  	v4 =	vperm.xlane v3, v0;
	_ =	sdelay $0x1  }
0xa4: {  	v4 =	vadd.s32 v1, v4;
	_ =	sdelay $0x3  }
0xa5: {  	v3 =	vperm.xlane v3, v2  }
0xa6: {  	[tilespmem:s18], [sflag:$0x1] =	stream.indirect_vreg.gather [hbm4b:s1+s3], $0x80, v4, vm0, $0xb8;
	[tilespmem:$0x18080] =	vst v63  }
0xa7: {  	v3 =	vadd.s32 v1, v3  }
0xa8: {  	[tilespmem:s19], [sflag:$0x1] =	stream.indirect_vreg.gather [hbm4b:s4+s3], $0x80, v4, vm0, $0xb8;
	[tilespmem:$0x18080] =	vst v63  }
0xa9: {  	_ = 	snop  }
0xaa: {  	[tilespmem:s20], [sflag:$0x1] =	stream.indirect_vreg.gather [hbm4b:s5+s3], $0x80, v4, vm0, $0xb8;
	[tilespmem:$0x18080] =	vst v63  }
0xab: {  	_ = 	snop  }
0xac: {  	[tilespmem:s21], [sflag:$0x1] =	stream.indirect_vreg.gather [hbm4b:s1+s3], $0x80, v3, vm0, $0xb8;
	[tilespmem:$0x18080] =	vst v63  }
0xad: {  	_ = 	snop  }
0xae: {  	[tilespmem:s22], [sflag:$0x1] =	stream.indirect_vreg.gather [hbm4b:s4+s3], $0x80, v3, vm0, $0xb8;
	[tilespmem:$0x18080] =	vst v63  }
0xaf: {  	_ = 	snop  }
0xb0: {  	[tilespmem:s23], [sflag:$0x1] =	stream.indirect_vreg.gather [hbm4b:s5+s3], $0x80, v3, vm0, $0xb8;
	[tilespmem:$0x18080] =	vst v63  }
0xb1: {  	v3 =	vld [tilespmem:$0x70];
	_ =	sdelay $0x4  }
0xb2: {  	v63 =	vshrl.u32 v3, $0x3  }
0xb3: {  	v4 =	vmul.u32 $0x30, v63  }
0xb4: {  	v3 =	vand.u32 $0x7, v3  }
0xb5: {  	v3 =	vor.u32 v3, v4  }
0xb6: {  	v4 =	vperm.xlane v3, v0;
	_ =	sdelay $0x1  }
0xb7: {  	v4 =	vadd.s32 v1, v4;
	_ =	sdelay $0x3  }
0xb8: {  	v3 =	vperm.xlane v3, v2  }
0xb9: {  	[tilespmem:s24], [sflag:$0x1] =	stream.indirect_vreg.gather [hbm4b:s1+s3], $0x80, v4, vm0, $0xb8;
	[tilespmem:$0x18080] =	vst v63  }
0xba: {  	v3 =	vadd.s32 v1, v3  }
0xbb: {  	[tilespmem:s25], [sflag:$0x1] =	stream.indirect_vreg.gather [hbm4b:s4+s3], $0x80, v4, vm0, $0xb8;
	[tilespmem:$0x18080] =	vst v63  }
0xbc: {  	_ = 	snop  }
0xbd: {  	[tilespmem:s26], [sflag:$0x1] =	stream.indirect_vreg.gather [hbm4b:s5+s3], $0x80, v4, vm0, $0xb8;
	[tilespmem:$0x18080] =	vst v63  }
0xbe: {  	_ = 	snop  }
0xbf: {  	[tilespmem:s28], [sflag:$0x1] =	stream.indirect_vreg.gather [hbm4b:s1+s3], $0x80, v3, vm0, $0xb8;
	[tilespmem:$0x18080] =	vst v63  }
0xc0: {  	_ = 	snop  }
0xc1: {  	[tilespmem:s29], [sflag:$0x1] =	stream.indirect_vreg.gather [hbm4b:s4+s3], $0x80, v3, vm0, $0xb8;
	[tilespmem:$0x18080] =	vst v63  }
0xc2: {  	_ = 	snop  }
0xc3: {  	[tilespmem:s30], [sflag:$0x1] =	stream.indirect_vreg.gather [hbm4b:s5+s3], $0x80, v3, vm0, $0xb8;
	[tilespmem:$0x18080] =	vst v63  }
0xc4: {  	_ =	swait.ge [sflag:s31], $0x18000  }
0xc5: {  	p0 =	sne.s32 s6, $0x1;
	[sflag:s31] =	ssyncset.done $0x0  }
.Ltmp0:
0xc6: {  	s9 =	rddreg [dreg:$0x5];
	[sflag:s31] =	ssyncadd.s32 $0xFFFE8000;
	(pc) =	sbr.rel @p0 .LBB2_1-.Ltmp0, $4  }
0xc7: {  	[hbm4b:s9+s3] =	stream.linear.scatter [tilespmem:s8], [sflag:$0x2], $0x18000, $0x38;
	[tilespmem:$0x18080] =	vst v63  }
0xc8: {  	_ =	swait.ge [sflag:s2], $0x18000  }
0xc9: {  	[sflag:s2] =	ssyncset.done $0x0  }
0xca: {  	s6 =	sadd.s32 $0xFFFFFFFF, s6;
	[sflag:s2] =	ssyncadd.s32 $0xFFFE8000  }
0xcb: {  	_ =	sfence.sel $0x180000  }
0xcc: {  	[bflag:$0x0] =	sbarrier.arrive $0xFFFF  }
0xcd: {  	_ =	strace $0x90000047  }
0xce: {  	s0 =	stileid.u32;
	[bflag:$0x2] =	sbarrier.arrive $0xFFFF  }
0xcf: {  	p0 =	sne.s32 s0, $0x0;
	s0 =	rddreg [dreg:$0x3]  }
0xd0: {  	s0 =	sadd.s32 @!p0 $0x100000, s0  }
0xd1: {  	[sflag:s0] =	ssyncadd.tile.s32 @!p0 $0x1;
	_ =	shalt  }
.Lfunc_end2:
_tile_overlayer_lowered:
.L_overlay_start_2:
0xd2: {  	(tag) =	ssettag $0x2  }
0xd3: {  	s0 =	rddreg [dreg:$0x0];
	s2 =	stileid.u32  }
0xd4: {  	s1 =	rddreg [dreg:$0x1];
	p0 =	sne.s32 s2, $0x0  }
0xd5: {  	s3 =	rddreg [dreg:$0x2];
	[bflag:$0x3] =	sbarrier.arrive $0xFFFF;
	s2 =	simm.s32 @!p0 $0x1C03  }
0xd6: {  	[timem:s3], [sflag:s2] =	dma.local @!p0 [hbm:s0], s1  }
0xd7: {  	s0 =	simm.s32 @!p0 $0x3  }
0xd8: {  	_ =	swait.ge @!p0 [sflag:s0], s1  }
0xd9: {  	s1 =	ssub.s32 @!p0 $0x0, s1;
	[sflag:s0] =	ssyncset.done @!p0 $0x0  }
0xda: {  	[sflag:s0] =	ssyncadd.s32 @!p0 s1  }
0xdb: {  	[bflag:$0x3] =	sbarrier.arrive $0xFFFF  }
0xdc: {  	_ =	shalt  }

// kernel: kernel.9.cloned.1.call-start
scs
__scs_entry_jumppad:
0x0: {  	(pc) =	sbr.rel $0x88, $3  }
0x1: {  	(tag) =	ssettag $0x0;
	lr =	simm.s32 $0x1  }
0x2: {  	[smem:$0x3F98] =	sst lr;
	_ =	strace $0xD0000000  }
0x3: {  	_ = 	snop  }
0x4: {  	_ = 	snop  }
0x5: {  	_ = 	snop  }
0x6: {  	_ = 	snop  }
0x7: {  	_ = 	snop  }
__scs_overlays_trampoline_lowered:
0x8: {  	[smem:$0x3FA7] =	sst s0  }
0x9: {  	[smem:$0x3FA8] =	sst s1  }
0xa: {  	[smem:$0x3FA9] =	sst s2  }
0xb: {  	[smem:$0x3FAA] =	sst s3  }
0xc: {  	[smem:$0x3FAB] =	sst s4  }
0xd: {  	[smem:$0x3FAC] =	sst s5  }
0xe: {  	[smem:$0x3FAD] =	sst s6  }
0xf: {  	[smem:$0x3FAE] =	sst s7  }
0x10: {  	[smem:$0x3FAF] =	sst s8  }
0x11: {  	[smem:$0x3FB0] =	sst s9;
	s0 =	simm.s32 @!p0 $0x0  }
0x12: {  	s1 =	sld [smem:$0x3F96];
	s0 =	simm.s32 @p0 $0x1  }
0x13: {  	[smem:$0x3FB1] =	sst s0;
	s0 =	simm.s32 @!p1 $0x0  }
0x14: {  	s2 =	sld [smem:$0x3F95];
	s0 =	simm.s32 @p1 $0x1  }
0x15: {  	[smem:$0x3FB2] =	sst s0;
	s0 =	simm.s32 @!p2 $0x0  }
0x16: {  	s3 =	sld [smem:$0x3FDB];
	s0 =	simm.s32 @p2 $0x1  }
0x17: {  	s4 =	simm.s32 $0x1BF5;
	[smem:$0x3FB4] =	sst s0  }
0x18: {  	s0 =	sld [smem:$0x3F97];
	_ =	swait.ge [sflag:s4], $0x0  }
0x19: {  	s7 =	sld [smem:$0x3F98]  }
0x1a: {  	s8 =	sadd.s32 $0xFFFFE003, lr  }
0x1b: {  	s9 =	sadd.s32 $0xFFFFFEF7, lr;
	s5 =	simm.s32 $0xFFFFFFFF;
	p2 =	slt.u32 s8, $0xFFFFF086  }
0x1c: {  	p1 =	slt.u32 s9, $0xF7A;
	s5 =	simm.s32 @!p2 $0x0  }
0x1d: {  	s5 =	simm.s32 @p1 $0x1;
	p0 =	seq.s32 s7, s2  }
0x1e: {  	s7 =	smul.u32 @!p0 $0xF7A, s2;
	p2 =	seq.s32 @!p0 s5, $0x0  }
0x1f: {  	s9 =	smul.u32 $0xF7A, s1;
	s8 =	simm.s32 @!p0 $0x1BF5;
	p2 =	por !p2, p0  }
0x20: {  	[sflag:s8] =	ssyncset.s32 @!p0 $0xFFFFF086;
	s6 =	sadd.s32 @!p0 s3, s7;
	s7 =	simm.s32 @!p0 $0x108  }
0x21: {  	s3 =	sadd.s32 s3, s9;
	s6 =	sadd.s32 @!p0 $0x88, s6;
	s7 =	simm.s32 @p2 $0x1082  }
0x22: {  	[simem:s7], [sflag:s8] =	dma.local @!p0 [hbm:s6], $0xF7A  }
0x23: {  	s9 =	sor.u32 $0xD0000000, s2;
	s6 =	simm.s32 $0x108;
	_ =	swait.ge @!p0 [sflag:s8], $0x0  }
0x24: {  	s3 =	sadd.s32 $0x88, s3;
	s6 =	simm.s32 @!p1 $0x1082;
	[sflag:s4] =	ssyncset.s32 $0xFFFFF086  }
0x25: {  	[simem:s6], [sflag:s4] =	dma.local [hbm:s3], $0xF7A  }
0x26: {  	[smem:$0x3F98] =	sst s1;
	(tag) =	ssettag s2;
	_ =	strace s9  }
0x27: {  	s1 =	sld [smem:$0x3FA8]  }
0x28: {  	s2 =	sld [smem:$0x3FA9]  }
0x29: {  	s4 =	sld [smem:$0x3FAB]  }
0x2a: {  	p0 =	seq.s32 s5, $0x0;
	s5 =	sld [smem:$0x3FAC]  }
0x2b: {  	s6 =	sld [smem:$0x3FAD]  }
0x2c: {  	s7 =	sld [smem:$0x3FAE]  }
0x2d: {  	s3 =	simm.s32 $0x108;
	s8 =	sld [smem:$0x3FAF]  }
0x2e: {  	s3 =	simm.s32 @!p0 $0x1082;
	s9 =	sld [smem:$0x3FB0]  }
0x2f: {  	lr =	sadd.s32 s0, s3;
	s0 =	sld [smem:$0x3FA7]  }
0x30: {  	s3 =	sld [smem:$0x3FAA]  }
0x31: {  	[smem:$0x3FB3] =	sst s10  }
0x32: {  	s10 =	sld [smem:$0x3FB1];
	_ =	sdelay $0x3  }
0x33: {  	p0 =	seq.s32 s10, $0x1;
	s10 =	sld [smem:$0x3FB3];
	_ =	sdelay $0x3  }
0x34: {  	[smem:$0x3FB3] =	sst s10  }
0x35: {  	s10 =	sld [smem:$0x3FB2];
	_ =	sdelay $0x3  }
0x36: {  	p1 =	seq.s32 s10, $0x1;
	s10 =	sld [smem:$0x3FB3];
	_ =	sdelay $0x3  }
0x37: {  	[smem:$0x3FB3] =	sst s10  }
0x38: {  	s10 =	sld [smem:$0x3FB4]  }
0x39: {  	_ = 	snop;
	(pc) =	sbr.ind lr, $3  }
0x3a: {  	_ = 	snop  }
0x3b: {  	_ = 	snop  }
0x3c: {  	p2 =	seq.s32 s10, $0x1;
	s10 =	sld [smem:$0x3FB3]  }
0x3d: {  	_ =	shalt  }
0x3e: {  	_ =	shalt  }
0x3f: {  	_ =	shalt  }
0x40: {  	_ =	shalt  }
0x41: {  	_ =	shalt  }
0x42: {  	_ =	shalt  }
0x43: {  	_ =	shalt  }
0x44: {  	_ =	shalt  }
0x45: {  	_ =	shalt  }
0x46: {  	_ =	shalt  }
0x47: {  	_ =	shalt  }
0x48: {  	_ =	shalt  }
0x49: {  	_ =	shalt  }
0x4a: {  	_ =	shalt  }
0x4b: {  	_ =	shalt  }
0x4c: {  	_ =	shalt  }
0x4d: {  	_ =	shalt  }
0x4e: {  	_ =	shalt  }
0x4f: {  	_ =	shalt  }
0x50: {  	_ =	shalt  }
0x51: {  	_ =	shalt  }
0x52: {  	_ =	shalt  }
0x53: {  	_ =	shalt  }
0x54: {  	_ =	shalt  }
0x55: {  	_ =	shalt  }
0x56: {  	_ =	shalt  }
0x57: {  	_ =	shalt  }
0x58: {  	_ =	shalt  }
0x59: {  	_ =	shalt  }
0x5a: {  	_ =	shalt  }
0x5b: {  	_ =	shalt  }
0x5c: {  	_ =	shalt  }
0x5d: {  	_ =	shalt  }
0x5e: {  	_ =	shalt  }
0x5f: {  	_ =	shalt  }
0x60: {  	_ =	shalt  }
0x61: {  	_ =	shalt  }
0x62: {  	_ =	shalt  }
0x63: {  	_ =	shalt  }
0x64: {  	_ =	shalt  }
0x65: {  	_ =	shalt  }
0x66: {  	_ =	shalt  }
0x67: {  	_ =	shalt  }
0x68: {  	_ =	shalt  }
0x69: {  	_ =	shalt  }
0x6a: {  	_ =	shalt  }
0x6b: {  	_ =	shalt  }
0x6c: {  	_ =	shalt  }
0x6d: {  	_ =	shalt  }
0x6e: {  	_ =	shalt  }
0x6f: {  	_ =	shalt  }
0x70: {  	_ =	shalt  }
0x71: {  	_ =	shalt  }
0x72: {  	_ =	shalt  }
0x73: {  	_ =	shalt  }
0x74: {  	_ =	shalt  }
0x75: {  	_ =	shalt  }
0x76: {  	_ =	shalt  }
0x77: {  	_ =	shalt  }
0x78: {  	_ =	shalt  }
0x79: {  	_ =	shalt  }
0x7a: {  	_ =	shalt  }
0x7b: {  	_ =	shalt  }
0x7c: {  	_ =	shalt  }
0x7d: {  	_ =	shalt  }
0x7e: {  	_ =	shalt  }
0x7f: {  	_ =	shalt  }
0x80: {  	_ =	shalt  }
0x81: {  	_ =	shalt  }
0x82: {  	_ =	shalt  }
0x83: {  	_ =	shalt  }
0x84: {  	_ =	shalt  }
0x85: {  	_ =	shalt  }
0x86: {  	_ =	shalt  }
0x87: {  	_ =	shalt  }
.Lfunc_end0:
.L_simem_size_0:
called_computation.1_lowered:
.L_overlay_start_0:
0x88: {  	s2 =	sld [smem:$0x3FD9]  }
0x89: {  	s3 =	sld [smem:$0x3FFE];
	_ =	sdelay $0x1  }
0x8a: {  	s1 =	srdreg.scid  }
0x8b: {  	s0 =	sand.u32 $0x1, s1  }
0x8c: {  	s17 =	sshll.u32 s0, $0xA;
	s2 =	sadd.s32 s3, s2  }
0x8d: {  	s2 =	sadd.s32 s2, s17  }
0x8e: {  	[smem:$0x3FBF] =	sst s2  }
0x8f: {  	_ = 	snop  }
0x90: {  	s18 =	sld [smem:$0x3FC6];
	(tm) =	ssettm $0x1  }
0x91: {  	s19 =	sld [smem:$0x3FFB];
	_ =	sdelay $0x3  }
0x92: {  	_ =	strace s19  }
0x93: {  	s2 =	sld [smem:$0x3FFC];
	_ =	sdelay $0x3  }
0x94: {  	_ =	strace s2  }
0x95: {  	s2 =	sld [smem:$0x3FFD];
	_ =	sdelay $0x3  }
0x96: {  	_ =	strace s2  }
0x97: {  	_ =	strace $0x8FFFFFFF  }
0x98: {  	s20 =	sld [smem:$0x3FDB];
	_ =	sdelay $0x1  }
0x99: {  	s4 =	simm.s32 $_scs_section_size  }
0x9a: {  	s5 =	simm.s32 $_size__tile_overlayer_lowered;
	s6 =	simm.s32 $_tile_overlayer_lowered  }
0x9b: {  	s7 =	simm.s32 $0x1BFF;
	s21 =	sshll.u32 s6, $0x1;
	s4 =	sadd.s32 s4, s20  }
0x9c: {  	s22 =	simm.s32 $0x0;
	s5 =	sshll.u32 s5, $0x1;
	s6 =	sadd.s32 s21, s4  }
0x9d: {  	[timem:s22], [sflag:s7] =	dma.local [hbm:s6], s5  }
0x9e: {  	_ =	swait.ge [sflag:s7], s5  }
0x9f: {  	s5 =	ssub.s32 $0x0, s5;
	[sflag:s7] =	ssyncset.done $0x0  }
0xa0: {  	[sflag:s7] =	ssyncadd.s32 s5;
	_ =	sdelay $0x1  }
0xa1: {  	s23 =	simm.s32 $0x1B8B  }
0xa2: {  	_ =	swait.ge [sflag:s23], $0x1  }
0xa3: {  	[sflag:s23] =	ssyncset.done $0x0  }
0xa4: {  	[sflag:s23] =	ssyncadd.s32 $0xFFFFFFFF  }
0xa5: {  	s5 =	sld [smem:$0x0]  }
0xa6: {  	s6 =	sand.u32 $0xFFFFFFFE, s1  }
0xa7: {  	p0 =	sne.s32 s1, s6  }
0xa8: {  	s6 =	sshll.u32 @p0 s6, $0xE  }
0xa9: {  	s6 =	sadd.s32 @p0 $0x11B8D, s6;
	s7 =	sshll.u32 @p0 s5, $0x11  }
0xaa: {  	s6 =	sor.u32 @p0 s7, s6  }
0xab: {  	[sflag:s6] =	ssyncadd.remote.s32 @p0 $0x1;
	_ =	sdelay $0x1  }
0xac: {  	s6 =	simm.s32 @p0 $0x1B8D  }
0xad: {  	_ =	swait.eq @p0 [sflag:s6], $0x1  }
0xae: {  	[sflag:s6] =	ssyncadd.s32 @p0 $0xFFFFFFFF  }
0xaf: {  	s7 =	sshll.u32 @!p0 s1, $0xE  }
0xb0: {  	s7 =	sor.u32 @!p0 $0x4000, s7;
	s6 =	simm.s32 @!p0 $0x1B8D  }
0xb1: {  	s5 =	sshll.u32 @!p0 s5, $0x11;
	s7 =	sadd.s32 @!p0 $0x11B8D, s7;
	_ =	swait.eq @!p0 [sflag:s6], $0x1  }
0xb2: {  	s5 =	sor.u32 @!p0 s5, s7;
	[sflag:s6] =	ssyncadd.s32 @!p0 $0xFFFFFFFF  }
0xb3: {  	s25 =	simm.s32 $0x1B8E;
	s24 =	sld [smem:$0x3FFE];
	[sflag:s5] =	ssyncadd.remote.s32 @!p0 $0x1  }
0xb4: {  	s26 =	simm.s32 $execute0_lowered;
	[smem:$0x3FD2] =	sst s25  }
0xb5: {  	s6 =	sshll.u32 s26, $0x1;
	_ =	strace $0x80000049;
	[dreg:$0x1] =	wrdreg $0xFFFFFFFF  }
0xb6: {  	s28 =	simm.s32 $_size_execute0_lowered;
	s4 =	sadd.s32 s4, s6;
	[dreg:$0x0] =	wrdreg $0x0  }
0xb7: {  	s6 =	sshll.u32 s28, $0x1;
	[dreg:$0x2] =	wrdreg s4  }
0xb8: {  	[dreg:$0x3] =	wrdreg s6  }
0xb9: {  	[dreg:$0x4] =	wrdreg $0xC0  }
0xba: {  	_ =	task [dreg:s22], $0x5FFFF  }
0xbb: {  	[dreg:$0x1] =	wrdreg $0xFFFFFFFF  }
0xbc: {  	[dreg:$0x0] =	wrdreg $0x60  }
0xbd: {  	[dreg:$0x2] =	wrdreg s18  }
0xbe: {  	[dreg:$0x3] =	wrdreg s24  }
0xbf: {  	[dreg:$0x4] =	wrdreg $0xA  }
0xc0: {  	_ =	task.clear_ibuf [dreg:s22], $0x5FFFF;
	_ =	strace $0x90000049  }
0xc1: {  	s29 =	simm.s32 $0xA;
	_ =	strace $0x8000004B  }
0xc2: {  	_ =	swait.ge [sflag:s29], $0x1  }
0xc3: {  	[sflag:s29] =	ssyncadd.s32 $0xFFFFFFFF  }
0xc4: {  	_ =	strace $0x9000004B  }
0xc5: {  	_ =	sfence  }
0xc6: {  	s30 =	sld [smem:$0x0];
	_ =	sdelay $0x2  }
0xc7: {  	s31 =	sshll.u32 s1, $0xD;
	s1 =	sshrl.u32 s1, $0x2  }
0xc8: {  	s4 =	sand.u32 $0x4000, s31;
	s1 =	sadd.s32 s1, s30  }
0xc9: {  	s0 =	sor.u32 s4, s0;
	s1 =	sshll.u32 s1, $0x11  }
0xca: {  	s0 =	sor.u32 s1, s0  }
0xcb: {  	s0 =	sadd.s32 $0x8F2B, s0  }
0xcc: {  	[sflag:s0] =	ssyncadd.remote.s32 $0x1  }
0xcd: {  	_ =	sfence.sel $0xFFFF  }
0xce: {  	[dreg:$0x0] =	wrdreg $0xFFFFFFFF;
	(pc) =	sbr.abs _section_cstart, $3  }
0xcf: {  	[dreg:$0x1] =	wrdreg $0xFFFFFFFF  }
0xd0: {  	_ =	task.clear_ibuf [dreg:s22], $0x2FFFF;
	_ =	strace $0x9FFFFFFF  }
0xd1: {  	(tm) =	ssettm $0x7FFFFFFF  }
tec
execute0_lowered:
.L_overlay_start_1:
0x0: {  	(tag) =	ssettag $0x1  }
0x1: {  	s1 =	srdreg.scid  }
0x2: {  	s0 =	stileid.u32;
	s1 =	sand.u32 $0x1, s1  }
0x3: {  	s2 =	rddreg [dreg:$0x0];
	s3 =	sshll.u32 s0, $0x5;
	s4 =	sshll.u32 s1, $0x4  }
0x4: {  	s5 =	rddreg [dreg:$0x1];
	s4 =	sor.u32 s4, s3;
	s3 =	simm.s32 $0x0  }
0x5: {  	s24 =	simm.s32 $0x880;
	[smem:$0x7FF] =	sst s3  }
0x6: {  	s25 =	simm.s32 $0x1080;
	_ =	strace $0x8000004A;
	[dreg:$0x5] =	wrdreg s24  }
0x7: {  	s26 =	simm.s32 $0x1880;
	[dreg:$0x6] =	wrdreg s25  }
0x8: {  	s0 =	simm.s32 $0x2080;
	[dreg:$0x7] =	wrdreg s26  }
0x9: {  	s7 =	simm.s32 $0x3880;
	[dreg:$0x8] =	wrdreg s0  }
0xa: {  	s8 =	simm.s32 $0x4080;
	[dreg:$0xb] =	wrdreg s7  }
0xb: {  	s9 =	simm.s32 $0x4880;
	[dreg:$0xc] =	wrdreg s8  }
0xc: {  	s10 =	simm.s32 $0x5080;
	[dreg:$0xd] =	wrdreg s9  }
0xd: {  	s11 =	simm.s32 $0x5880;
	[dreg:$0xe] =	wrdreg s10  }
0xe: {  	s12 =	simm.s32 $0x6080;
	s13 =	simm.s32 $0x6880;
	[dreg:$0xf] =	wrdreg s11  }
0xf: {  	s14 =	simm.s32 $0x7080;
	s15 =	simm.s32 $0x7880;
	[dreg:$0x10] =	wrdreg s12  }
0x10: {  	s16 =	simm.s32 $0x8080;
	s17 =	simm.s32 $0x8880;
	[dreg:$0x11] =	wrdreg s13  }
0x11: {  	s18 =	simm.s32 $0x9080;
	s19 =	simm.s32 $0x9880;
	[dreg:$0x12] =	wrdreg s14  }
0x12: {  	s21 =	simm.s32 $0xA080;
	s22 =	simm.s32 $0xA880;
	[dreg:$0x13] =	wrdreg s15  }
0x13: {  	s28 =	simm.s32 $0x16880;
	s29 =	simm.s32 $0x17080;
	[dreg:$0x14] =	wrdreg s16  }
0x14: {  	s30 =	simm.s32 $0x17880;
	s1 =	ssub.s32 $0x2, s1;
	[dreg:$0x15] =	wrdreg s17  }
0x15: {  	s31 =	simm.s32 $0x1;
	s20 =	sshrl.u32 s1, $0x1;
	[dreg:$0x16] =	wrdreg s18  }
0x16: {  	s6 =	smul.u32 $0x300, s4;
	s4 =	sadd.s32 s4, s5;
	[dreg:$0x17] =	wrdreg s19  }
0x17: {  	s1 =	ssub.s32 s1, s20;
	s20 =	simm.s32 $0x13080;
	[dreg:$0x18] =	wrdreg s21  }
0x18: {  	s4 =	sadd.s32 $0x2000, s4;
	[dreg:$0x19] =	wrdreg s22;
	s7 =	simm.s32 $0xB880  }
0x19: {  	s24 =	simm.s32 $0xC080;
	s25 =	simm.s32 $0xC880;
	s8 =	simm.s32 $0x80  }
0x1a: {  	s26 =	simm.s32 $0xD080;
	s10 =	simm.s32 $0xE080;
	s11 =	simm.s32 $0xE880  }
0x1b: {  	s12 =	simm.s32 $0xF080;
	s13 =	simm.s32 $0xF880;
	s14 =	simm.s32 $0x10080  }
0x1c: {  	s15 =	simm.s32 $0x10880;
	s16 =	simm.s32 $0x11080;
	s17 =	simm.s32 $0x11880  }
0x1d: {  	s18 =	simm.s32 $0x12080;
	s19 =	simm.s32 $0x12880;
	[dreg:$0x3] =	wrdreg s4  }
0x1e: {  	s21 =	simm.s32 $0x13880;
	s22 =	simm.s32 $0x14080;
	[dreg:$0x1b] =	wrdreg s7  }
0x1f: {  	s5 =	sadd.s32 s6, s5;
	s6 =	simm.s32 $0x3080;
	[dreg:$0x1c] =	wrdreg s24  }
0x20: {  	s4 =	sadd.s32 $0x100, s2;
	s7 =	simm.s32 $0x3;
	[dreg:$0x1d] =	wrdreg s25  }
0x21: {  	[dreg:$0x1e] =	wrdreg s26;
	s24 =	simm.s32 $0x15080;
	s25 =	simm.s32 $0x15880  }
0x22: {  	s26 =	simm.s32 $0x16080;
	s23 =	sadd.s32 $0x2200, s5;
	[dreg:$0xa] =	wrdreg s6  }
0x23: {  	v2 =	vlaneseq.u32;
	s5 =	simm.s32 $0x2880;
	s6 =	smax.u32 s1, $0x1;
	[dreg:$0x4] =	wrdreg s23  }
0x24: {  	vm0 =	vmmov $0xffff;
	v1 =	vshrl.u32 v2, $0x3;
	s1 =	simm.s32 $0x2;
	[dreg:$0x9] =	wrdreg s5;
	s23 =	simm.s32 $0xB080  }
0x25: {  	v0 =	vand.u32 $0x7, v2;
	v2 =	vor.u32 $0x8, v2;
	v1 =	vmul.u32 $0x8, v1;
	s5 =	sadd.s32 $0x200, s2;
	[dreg:$0x1a] =	wrdreg s23;
	s23 =	simm.s32 $0x14880  }
.LBB2_1:
0x26: {  	s0 =	rddreg [dreg:$0x3]  }
0x27: {  	[tilespmem:s3], [sflag:$0x3] =	stream.linear.gather [hbm4b:s0+s3], $0x80, $0x38;
	[tilespmem:$0x18080] =	vst v63  }
0x28: {  	_ =	swait.ge [sflag:s7], $0x80  }
0x29: {  	[sflag:s7] =	ssyncset.done $0x0  }
0x2a: {  	[sflag:s7] =	ssyncadd.s32 $0xFFFFFF80  }
0x2b: {  	v3 =	vld [tilespmem:$0x0];
	_ =	sdelay $0x4  }
0x2c: {  	v4 =	vshrl.u32 v3, $0x3  }
0x2d: {  	v4 =	vmul.u32 $0x30, v4  }
0x2e: {  	v3 =	vand.u32 $0x7, v3  }
0x2f: {  	v3 =	vor.u32 v3, v4  }
0x30: {  	v4 =	vperm.xlane v3, v0;
	_ =	sdelay $0x1  }
0x31: {  	v4 =	vadd.s32 v1, v4;
	_ =	sdelay $0x3  }
0x32: {  	v3 =	vperm.xlane v3, v2  }
0x33: {  	[tilespmem:s8], [sflag:$0x1] =	stream.indirect_vreg.gather [hbm4b:s2+s3], $0x80, v4, vm0, $0xb8;
	[tilespmem:$0x18080] =	vst v63  }
0x34: {  	s0 =	rddreg [dreg:$0x5];
	v3 =	vadd.s32 v1, v3  }
0x35: {  	[tilespmem:s0], [sflag:$0x1] =	stream.indirect_vreg.gather [hbm4b:s4+s3], $0x80, v4, vm0, $0xb8;
	[tilespmem:$0x18080] =	vst v63  }
0x36: {  	s9 =	rddreg [dreg:$0x6]  }
0x37: {  	[tilespmem:s9], [sflag:$0x1] =	stream.indirect_vreg.gather [hbm4b:s5+s3], $0x80, v4, vm0, $0xb8;
	[tilespmem:$0x18080] =	vst v63  }
0x38: {  	s0 =	rddreg [dreg:$0x7]  }
0x39: {  	[tilespmem:s0], [sflag:$0x1] =	stream.indirect_vreg.gather [hbm4b:s2+s3], $0x80, v3, vm0, $0xb8;
	[tilespmem:$0x18080] =	vst v63  }
0x3a: {  	s9 =	rddreg [dreg:$0x8]  }
0x3b: {  	[tilespmem:s9], [sflag:$0x1] =	stream.indirect_vreg.gather [hbm4b:s4+s3], $0x80, v3, vm0, $0xb8;
	[tilespmem:$0x18080] =	vst v63  }
0x3c: {  	s0 =	rddreg [dreg:$0x9]  }
0x3d: {  	[tilespmem:s0], [sflag:$0x1] =	stream.indirect_vreg.gather [hbm4b:s5+s3], $0x80, v3, vm0, $0xb8;
	[tilespmem:$0x18080] =	vst v63  }
0x3e: {  	v3 =	vld [tilespmem:$0x10];
	_ =	sdelay $0x4  }
0x3f: {  	v57 =	vshrl.u32 v3, $0x3  }
0x40: {  	v4 =	vmul.u32 $0x30, v57  }
0x41: {  	v3 =	vand.u32 $0x7, v3  }
0x42: {  	v3 =	vor.u32 v3, v4  }
0x43: {  	v4 =	vperm.xlane v3, v0;
	_ =	sdelay $0x1  }
0x44: {  	v4 =	vadd.s32 v1, v4;
	_ =	sdelay $0x3  }
0x45: {  	s0 =	rddreg [dreg:$0xa];
	v3 =	vperm.xlane v3, v2  }
0x46: {  	[tilespmem:s0], [sflag:$0x1] =	stream.indirect_vreg.gather [hbm4b:s2+s3], $0x80, v4, vm0, $0xb8;
	[tilespmem:$0x18080] =	vst v63  }
0x47: {  	s9 =	rddreg [dreg:$0xb];
	v3 =	vadd.s32 v1, v3  }
0x48: {  	[tilespmem:s9], [sflag:$0x1] =	stream.indirect_vreg.gather [hbm4b:s4+s3], $0x80, v4, vm0, $0xb8;
	[tilespmem:$0x18080] =	vst v63  }
0x49: {  	s0 =	rddreg [dreg:$0xc]  }
0x4a: {  	[tilespmem:s0], [sflag:$0x1] =	stream.indirect_vreg.gather [hbm4b:s5+s3], $0x80, v4, vm0, $0xb8;
	[tilespmem:$0x18080] =	vst v63  }
0x4b: {  	s9 =	rddreg [dreg:$0xd]  }
0x4c: {  	[tilespmem:s9], [sflag:$0x1] =	stream.indirect_vreg.gather [hbm4b:s2+s3], $0x80, v3, vm0, $0xb8;
	[tilespmem:$0x18080] =	vst v63  }
0x4d: {  	s0 =	rddreg [dreg:$0xe]  }
0x4e: {  	[tilespmem:s0], [sflag:$0x1] =	stream.indirect_vreg.gather [hbm4b:s4+s3], $0x80, v3, vm0, $0xb8;
	[tilespmem:$0x18080] =	vst v63  }
0x4f: {  	s9 =	rddreg [dreg:$0xf]  }
0x50: {  	[tilespmem:s9], [sflag:$0x1] =	stream.indirect_vreg.gather [hbm4b:s5+s3], $0x80, v3, vm0, $0xb8;
	[tilespmem:$0x18080] =	vst v63  }
0x51: {  	v3 =	vld [tilespmem:$0x20];
	_ =	sdelay $0x4  }
0x52: {  	v58 =	vshrl.u32 v3, $0x3  }
0x53: {  	v4 =	vmul.u32 $0x30, v58  }
0x54: {  	v3 =	vand.u32 $0x7, v3  }
0x55: {  	v3 =	vor.u32 v3, v4  }
0x56: {  	v4 =	vperm.xlane v3, v0;
	_ =	sdelay $0x1  }
0x57: {  	v4 =	vadd.s32 v1, v4;
	_ =	sdelay $0x3  }
0x58: {  	s0 =	rddreg [dreg:$0x10];
	v3 =	vperm.xlane v3, v2  }
0x59: {  	[tilespmem:s0], [sflag:$0x1] =	stream.indirect_vreg.gather [hbm4b:s2+s3], $0x80, v4, vm0, $0xb8;
	[tilespmem:$0x18080] =	vst v63  }
0x5a: {  	s9 =	rddreg [dreg:$0x11];
	v3 =	vadd.s32 v1, v3  }
0x5b: {  	[tilespmem:s9], [sflag:$0x1] =	stream.indirect_vreg.gather [hbm4b:s4+s3], $0x80, v4, vm0, $0xb8;
	[tilespmem:$0x18080] =	vst v63  }
0x5c: {  	s0 =	rddreg [dreg:$0x12]  }
0x5d: {  	[tilespmem:s0], [sflag:$0x1] =	stream.indirect_vreg.gather [hbm4b:s5+s3], $0x80, v4, vm0, $0xb8;
	[tilespmem:$0x18080] =	vst v63  }
0x5e: {  	s9 =	rddreg [dreg:$0x13]  }
0x5f: {  	[tilespmem:s9], [sflag:$0x1] =	stream.indirect_vreg.gather [hbm4b:s2+s3], $0x80, v3, vm0, $0xb8;
	[tilespmem:$0x18080] =	vst v63  }
0x60: {  	s0 =	rddreg [dreg:$0x14]  }
0x61: {  	[tilespmem:s0], [sflag:$0x1] =	stream.indirect_vreg.gather [hbm4b:s4+s3], $0x80, v3, vm0, $0xb8;
	[tilespmem:$0x18080] =	vst v63  }
0x62: {  	s9 =	rddreg [dreg:$0x15]  }
0x63: {  	[tilespmem:s9], [sflag:$0x1] =	stream.indirect_vreg.gather [hbm4b:s5+s3], $0x80, v3, vm0, $0xb8;
	[tilespmem:$0x18080] =	vst v63  }
0x64: {  	v3 =	vld [tilespmem:$0x30];
	_ =	sdelay $0x4  }
0x65: {  	v59 =	vshrl.u32 v3, $0x3  }
0x66: {  	v4 =	vmul.u32 $0x30, v59  }
0x67: {  	v3 =	vand.u32 $0x7, v3  }
0x68: {  	v3 =	vor.u32 v3, v4  }
0x69: {  	v4 =	vperm.xlane v3, v0;
	_ =	sdelay $0x1  }
0x6a: {  	v4 =	vadd.s32 v1, v4;
	_ =	sdelay $0x3  }
0x6b: {  	s0 =	rddreg [dreg:$0x16];
	v3 =	vperm.xlane v3, v2  }
0x6c: {  	[tilespmem:s0], [sflag:$0x1] =	stream.indirect_vreg.gather [hbm4b:s2+s3], $0x80, v4, vm0, $0xb8;
	[tilespmem:$0x18080] =	vst v63  }
0x6d: {  	s9 =	rddreg [dreg:$0x17];
	v3 =	vadd.s32 v1, v3  }
0x6e: {  	[tilespmem:s9], [sflag:$0x1] =	stream.indirect_vreg.gather [hbm4b:s4+s3], $0x80, v4, vm0, $0xb8;
	[tilespmem:$0x18080] =	vst v63  }
0x6f: {  	s0 =	rddreg [dreg:$0x18]  }
0x70: {  	[tilespmem:s0], [sflag:$0x1] =	stream.indirect_vreg.gather [hbm4b:s5+s3], $0x80, v4, vm0, $0xb8;
	[tilespmem:$0x18080] =	vst v63  }
0x71: {  	s9 =	rddreg [dreg:$0x19]  }
0x72: {  	[tilespmem:s9], [sflag:$0x1] =	stream.indirect_vreg.gather [hbm4b:s2+s3], $0x80, v3, vm0, $0xb8;
	[tilespmem:$0x18080] =	vst v63  }
0x73: {  	s0 =	rddreg [dreg:$0x1a]  }
0x74: {  	[tilespmem:s0], [sflag:$0x1] =	stream.indirect_vreg.gather [hbm4b:s4+s3], $0x80, v3, vm0, $0xb8;
	[tilespmem:$0x18080] =	vst v63  }
0x75: {  	s9 =	rddreg [dreg:$0x1b]  }
0x76: {  	[tilespmem:s9], [sflag:$0x1] =	stream.indirect_vreg.gather [hbm4b:s5+s3], $0x80, v3, vm0, $0xb8;
	[tilespmem:$0x18080] =	vst v63  }
0x77: {  	v3 =	vld [tilespmem:$0x40];
	_ =	sdelay $0x4  }
0x78: {  	v60 =	vshrl.u32 v3, $0x3  }
0x79: {  	v4 =	vmul.u32 $0x30, v60  }
0x7a: {  	v3 =	vand.u32 $0x7, v3  }
0x7b: {  	v3 =	vor.u32 v3, v4  }
0x7c: {  	v4 =	vperm.xlane v3, v0;
	_ =	sdelay $0x1  }
0x7d: {  	v4 =	vadd.s32 v1, v4;
	_ =	sdelay $0x3  }
0x7e: {  	s0 =	rddreg [dreg:$0x1c];
	v3 =	vperm.xlane v3, v2  }
0x7f: {  	[tilespmem:s0], [sflag:$0x1] =	stream.indirect_vreg.gather [hbm4b:s2+s3], $0x80, v4, vm0, $0xb8;
	[tilespmem:$0x18080] =	vst v63  }
0x80: {  	s9 =	rddreg [dreg:$0x1d];
	v3 =	vadd.s32 v1, v3  }
0x81: {  	[tilespmem:s9], [sflag:$0x1] =	stream.indirect_vreg.gather [hbm4b:s4+s3], $0x80, v4, vm0, $0xb8;
	[tilespmem:$0x18080] =	vst v63  }
0x82: {  	s0 =	rddreg [dreg:$0x1e]  }
0x83: {  	[tilespmem:s0], [sflag:$0x1] =	stream.indirect_vreg.gather [hbm4b:s5+s3], $0x80, v4, vm0, $0xb8;
	[tilespmem:$0x18080] =	vst v63  }
0x84: {  	s9 =	simm.s32 $0xD880  }
0x85: {  	[tilespmem:s9], [sflag:$0x1] =	stream.indirect_vreg.gather [hbm4b:s2+s3], $0x80, v3, vm0, $0xb8;
	[tilespmem:$0x18080] =	vst v63  }
0x86: {  	_ = 	snop  }
0x87: {  	[tilespmem:s10], [sflag:$0x1] =	stream.indirect_vreg.gather [hbm4b:s4+s3], $0x80, v3, vm0, $0xb8;
	[tilespmem:$0x18080] =	vst v63  }
0x88: {  	_ = 	snop  }
0x89: {  	[tilespmem:s11], [sflag:$0x1] =	stream.indirect_vreg.gather [hbm4b:s5+s3], $0x80, v3, vm0, $0xb8;
	[tilespmem:$0x18080] =	vst v63  }
0x8a: {  	v3 =	vld [tilespmem:$0x50];
	_ =	sdelay $0x4  }
0x8b: {  	v61 =	vshrl.u32 v3, $0x3  }
0x8c: {  	v4 =	vmul.u32 $0x30, v61  }
0x8d: {  	v3 =	vand.u32 $0x7, v3  }
0x8e: {  	v3 =	vor.u32 v3, v4  }
0x8f: {  	v4 =	vperm.xlane v3, v0;
	_ =	sdelay $0x1  }
0x90: {  	v4 =	vadd.s32 v1, v4;
	_ =	sdelay $0x3  }
0x91: {  	v3 =	vperm.xlane v3, v2  }
0x92: {  	[tilespmem:s12], [sflag:$0x1] =	stream.indirect_vreg.gather [hbm4b:s2+s3], $0x80, v4, vm0, $0xb8;
	[tilespmem:$0x18080] =	vst v63  }
0x93: {  	v3 =	vadd.s32 v1, v3  }
0x94: {  	[tilespmem:s13], [sflag:$0x1] =	stream.indirect_vreg.gather [hbm4b:s4+s3], $0x80, v4, vm0, $0xb8;
	[tilespmem:$0x18080] =	vst v63  }
0x95: {  	_ = 	snop  }
0x96: {  	[tilespmem:s14], [sflag:$0x1] =	stream.indirect_vreg.gather [hbm4b:s5+s3], $0x80, v4, vm0, $0xb8;
	[tilespmem:$0x18080] =	vst v63  }
0x97: {  	_ = 	snop  }
0x98: {  	[tilespmem:s15], [sflag:$0x1] =	stream.indirect_vreg.gather [hbm4b:s2+s3], $0x80, v3, vm0, $0xb8;
	[tilespmem:$0x18080] =	vst v63  }
0x99: {  	_ = 	snop  }
0x9a: {  	[tilespmem:s16], [sflag:$0x1] =	stream.indirect_vreg.gather [hbm4b:s4+s3], $0x80, v3, vm0, $0xb8;
	[tilespmem:$0x18080] =	vst v63  }
0x9b: {  	_ = 	snop  }
0x9c: {  	[tilespmem:s17], [sflag:$0x1] =	stream.indirect_vreg.gather [hbm4b:s5+s3], $0x80, v3, vm0, $0xb8;
	[tilespmem:$0x18080] =	vst v63  }
0x9d: {  	v3 =	vld [tilespmem:$0x60];
	_ =	sdelay $0x4  }
0x9e: {  	v62 =	vshrl.u32 v3, $0x3  }
0x9f: {  	v4 =	vmul.u32 $0x30, v62  }
0xa0: {  	v3 =	vand.u32 $0x7, v3  }
0xa1: {  	v3 =	vor.u32 v3, v4  }
0xa2: {  	v4 =	vperm.xlane v3, v0;
	_ =	sdelay $0x1  }
0xa3: {  	v4 =	vadd.s32 v1, v4;
	_ =	sdelay $0x3  }
0xa4: {  	v3 =	vperm.xlane v3, v2  }
0xa5: {  	[tilespmem:s18], [sflag:$0x1] =	stream.indirect_vreg.gather [hbm4b:s2+s3], $0x80, v4, vm0, $0xb8;
	[tilespmem:$0x18080] =	vst v63  }
0xa6: {  	v3 =	vadd.s32 v1, v3  }
0xa7: {  	[tilespmem:s19], [sflag:$0x1] =	stream.indirect_vreg.gather [hbm4b:s4+s3], $0x80, v4, vm0, $0xb8;
	[tilespmem:$0x18080] =	vst v63  }
0xa8: {  	_ = 	snop  }
0xa9: {  	[tilespmem:s20], [sflag:$0x1] =	stream.indirect_vreg.gather [hbm4b:s5+s3], $0x80, v4, vm0, $0xb8;
	[tilespmem:$0x18080] =	vst v63  }
0xaa: {  	_ = 	snop  }
0xab: {  	[tilespmem:s21], [sflag:$0x1] =	stream.indirect_vreg.gather [hbm4b:s2+s3], $0x80, v3, vm0, $0xb8;
	[tilespmem:$0x18080] =	vst v63  }
0xac: {  	_ = 	snop  }
0xad: {  	[tilespmem:s22], [sflag:$0x1] =	stream.indirect_vreg.gather [hbm4b:s4+s3], $0x80, v3, vm0, $0xb8;
	[tilespmem:$0x18080] =	vst v63  }
0xae: {  	_ = 	snop  }
0xaf: {  	[tilespmem:s23], [sflag:$0x1] =	stream.indirect_vreg.gather [hbm4b:s5+s3], $0x80, v3, vm0, $0xb8;
	[tilespmem:$0x18080] =	vst v63  }
0xb0: {  	v3 =	vld [tilespmem:$0x70];
	_ =	sdelay $0x4  }
0xb1: {  	v63 =	vshrl.u32 v3, $0x3  }
0xb2: {  	v4 =	vmul.u32 $0x30, v63  }
0xb3: {  	v3 =	vand.u32 $0x7, v3  }
0xb4: {  	v3 =	vor.u32 v3, v4  }
0xb5: {  	v4 =	vperm.xlane v3, v0;
	_ =	sdelay $0x1  }
0xb6: {  	v4 =	vadd.s32 v1, v4;
	_ =	sdelay $0x3  }
0xb7: {  	v3 =	vperm.xlane v3, v2  }
0xb8: {  	[tilespmem:s24], [sflag:$0x1] =	stream.indirect_vreg.gather [hbm4b:s2+s3], $0x80, v4, vm0, $0xb8;
	[tilespmem:$0x18080] =	vst v63  }
0xb9: {  	v3 =	vadd.s32 v1, v3  }
0xba: {  	[tilespmem:s25], [sflag:$0x1] =	stream.indirect_vreg.gather [hbm4b:s4+s3], $0x80, v4, vm0, $0xb8;
	[tilespmem:$0x18080] =	vst v63  }
0xbb: {  	_ = 	snop  }
0xbc: {  	[tilespmem:s26], [sflag:$0x1] =	stream.indirect_vreg.gather [hbm4b:s5+s3], $0x80, v4, vm0, $0xb8;
	[tilespmem:$0x18080] =	vst v63  }
0xbd: {  	_ = 	snop  }
0xbe: {  	[tilespmem:s28], [sflag:$0x1] =	stream.indirect_vreg.gather [hbm4b:s2+s3], $0x80, v3, vm0, $0xb8;
	[tilespmem:$0x18080] =	vst v63  }
0xbf: {  	_ = 	snop  }
0xc0: {  	[tilespmem:s29], [sflag:$0x1] =	stream.indirect_vreg.gather [hbm4b:s4+s3], $0x80, v3, vm0, $0xb8;
	[tilespmem:$0x18080] =	vst v63  }
0xc1: {  	_ = 	snop  }
0xc2: {  	[tilespmem:s30], [sflag:$0x1] =	stream.indirect_vreg.gather [hbm4b:s5+s3], $0x80, v3, vm0, $0xb8;
	[tilespmem:$0x18080] =	vst v63  }
0xc3: {  	_ =	swait.ge [sflag:s31], $0x18000  }
0xc4: {  	p0 =	sne.s32 s6, $0x1;
	[sflag:s31] =	ssyncset.done $0x0  }
.Ltmp0:
0xc5: {  	s9 =	rddreg [dreg:$0x4];
	[sflag:s31] =	ssyncadd.s32 $0xFFFE8000;
	(pc) =	sbr.rel @p0 .LBB2_1-.Ltmp0, $4  }
0xc6: {  	[hbm4b:s9+s3] =	stream.linear.scatter [tilespmem:s8], [sflag:$0x2], $0x18000, $0x38;
	[tilespmem:$0x18080] =	vst v63  }
0xc7: {  	_ =	swait.ge [sflag:s1], $0x18000  }
0xc8: {  	[sflag:s1] =	ssyncset.done $0x0  }
0xc9: {  	s6 =	sadd.s32 $0xFFFFFFFF, s6;
	[sflag:s1] =	ssyncadd.s32 $0xFFFE8000  }
0xca: {  	_ =	sfence.sel $0x180000  }
0xcb: {  	[bflag:$0x0] =	sbarrier.arrive $0xFFFF  }
0xcc: {  	_ =	strace $0x9000004A  }
0xcd: {  	s0 =	stileid.u32;
	[bflag:$0x2] =	sbarrier.arrive $0xFFFF  }
0xce: {  	p0 =	sne.s32 s0, $0x0;
	s0 =	rddreg [dreg:$0x2]  }
0xcf: {  	s0 =	sadd.s32 @!p0 $0x100000, s0  }
0xd0: {  	[sflag:s0] =	ssyncadd.tile.s32 @!p0 $0x1;
	_ =	shalt  }
.Lfunc_end2:
_tile_overlayer_lowered:
.L_overlay_start_2:
0xd1: {  	(tag) =	ssettag $0x2  }
0xd2: {  	s0 =	rddreg [dreg:$0x0];
	s2 =	stileid.u32  }
0xd3: {  	s1 =	rddreg [dreg:$0x1];
	p0 =	sne.s32 s2, $0x0  }
0xd4: {  	s3 =	rddreg [dreg:$0x2];
	[bflag:$0x3] =	sbarrier.arrive $0xFFFF;
	s2 =	simm.s32 @!p0 $0x1C03  }
0xd5: {  	[timem:s3], [sflag:s2] =	dma.local @!p0 [hbm:s0], s1  }
0xd6: {  	s0 =	simm.s32 @!p0 $0x3  }
0xd7: {  	_ =	swait.ge @!p0 [sflag:s0], s1  }
0xd8: {  	s1 =	ssub.s32 @!p0 $0x0, s1;
	[sflag:s0] =	ssyncset.done @!p0 $0x0  }
0xd9: {  	[sflag:s0] =	ssyncadd.s32 @!p0 s1  }
0xda: {  	[bflag:$0x3] =	sbarrier.arrive $0xFFFF  }
0xdb: {  	_ =	shalt  }

</sc_bundles>
